<compile_context>
chip_gen: v7x
topology: tpu7x:2x2x1
jax: 0.10.2.dev20260603
libtpu: 0.0.44.dev20260713+nightly
codegen_flags: <defaults>
</compile_context>

<pallas_src>
import functools

import jax
import jax.numpy as jnp
from jax import lax
from jax.experimental import pallas as pl
from jax.experimental.pallas import tpu as pltpu
from jax.experimental.pallas import tpu_sc as plsc

B = 8192
N_ATOMS = 1048576
MAX_ELEM = 94
NC = 2
NS = 16
L = 16
NW = NC * NS
APW = N_ATOMS // NW
VECS = APW // L
ROWS = 64
RPT = ROWS // NS
NCHUNK = 2
CATOMS = APW // NCHUNK
VPC = VECS // NCHUNK

_mesh = plsc.VectorSubcoreMesh(core_axis_name="c", subcore_axis_name="s")


@functools.partial(
    pl.kernel,
    out_type=[
        jax.ShapeDtypeStruct((NC, ROWS, 128), jnp.float32),
        jax.ShapeDtypeStruct((NC, ROWS, 128), jnp.float32),
    ],
    mesh=_mesh,
    compiler_params=pltpu.CompilerParams(needs_layout_passes=False),
    scratch_types=[
        pltpu.VMEM((APW,), jnp.int32),
        pltpu.VMEM((APW,), jnp.int32),
        pltpu.VMEM((128,), jnp.float32),
        pltpu.VMEM((ROWS, 128), jnp.float32),
        pltpu.VMEM((ROWS, 128), jnp.float32),
        pltpu.VMEM((ROWS,), jnp.int32),
        pltpu.VMEM((RPT, 128), jnp.float32),
        pltpu.VMEM_SHARED((ROWS, 128), jnp.float32),
        pltpu.VMEM_SHARED((ROWS, 128), jnp.float32),
    ] + [pltpu.SemaphoreType.DMA] * (NCHUNK + 1),
)
def _sc_hist(w_hbm, atoms_hbm, segs_hbm, out_sum, out_cnt,
             atoms_v, segs_v, w_v, acc_s, acc_c, rows_v, bounce,
             sh_s, sh_c, *sems):
    cid = lax.axis_index("c")
    sid = lax.axis_index("s")
    wid = sid * NC + cid
    base = wid * APW
    w_desc = pltpu.async_copy(w_hbm, w_v, sems[NCHUNK])
    descs = []
    for k in range(NCHUNK):
        off = k * CATOMS
        descs.append((
            pltpu.async_copy(atoms_hbm.at[pl.ds(base + off, CATOMS)],
                             atoms_v.at[pl.ds(off, CATOMS)], sems[k]),
            pltpu.async_copy(segs_hbm.at[pl.ds(base + off, CATOMS)],
                             segs_v.at[pl.ds(off, CATOMS)], sems[k]),
        ))

    zeros = jnp.zeros((L,), jnp.float32)
    iota = lax.iota(jnp.int32, L)

    @plsc.parallel_loop(0, ROWS, unroll=8)
    def _(r):
        for k in range(128 // L):
            acc_s[r, pl.ds(k * L, L)] = zeros
            acc_c[r, pl.ds(k * L, L)] = zeros

    @plsc.parallel_loop(0, ROWS // L, unroll=4)
    def _(r):
        rows_v[pl.ds(r * L, L)] = iota + r * L

    inext = jnp.minimum(iota + 1, L - 1)
    iprev = jnp.maximum(iota - 1, 0)
    lastmask = iota == L - 1
    firstmask = iota == 0

    w_desc.wait()
    for k in range(NCHUNK):
        for d in descs[k]:
            d.wait()

        @plsc.parallel_loop(k * VPC, (k + 1) * VPC, unroll=8)
        def _(i):
            a = atoms_v[pl.ds(i * L, L)]
            s = segs_v[pl.ds(i * L, L)]
            v = plsc.load_gather(w_v, [a])
            s_next = s.at[inext].get(mode="promise_in_bounds")
            m_end = lastmask | (s != s_next)
            c = plsc.cumsum(v)
            q = jnp.where(m_end, iota, -1)
            r = plsc.cummax(q)
            rp = jnp.where(firstmask, -1,
                           r.at[iprev].get(mode="promise_in_bounds"))
            cp = jnp.where(
                rp >= 0,
                c.at[jnp.maximum(rp, 0)].get(mode="promise_in_bounds"),
                0.0)
            s_hi = jax.lax.shift_right_logical(s, 7)
            s_lo = jax.lax.bitwise_and(s, 127)
            plsc.addupdate_scatter(acc_s, [s_hi, s_lo], c - cp, mask=m_end)
            plsc.addupdate_scatter(acc_c, [s_hi, s_lo],
                                   (iota - rp).astype(jnp.float32),
                                   mask=m_end)

    @pl.when(sid == 0)
    def _():
        pltpu.sync_copy(acc_s, sh_s)
        pltpu.sync_copy(acc_c, sh_c)

    plsc.subcore_barrier()

    @pl.when(sid != 0)
    def _():
        pltpu.sync_copy(acc_s, sh_s.at[rows_v], add=True)
        pltpu.sync_copy(acc_c, sh_c.at[rows_v], add=True)

    plsc.subcore_barrier()

    pltpu.sync_copy(sh_s.at[pl.ds(sid * RPT, RPT)], bounce)
    pltpu.sync_copy(bounce, out_sum.at[cid, pl.ds(sid * RPT, RPT)])
    pltpu.sync_copy(sh_c.at[pl.ds(sid * RPT, RPT)], bounce)
    pltpu.sync_copy(bounce, out_cnt.at[cid, pl.ds(sid * RPT, RPT)])


def _combine_body(ps_ref, pc_ref, out_ref):
    s = ps_ref[0] + ps_ref[1]
    c = pc_ref[0] + pc_ref[1]
    out_ref[...] = s / jnp.maximum(c, 1.0)


def kernel(weight, atomic_numbers, segment_ids):
    w = jnp.pad(weight.reshape(-1), (0, 128 - MAX_ELEM))
    ps, pc = _sc_hist(w, atomic_numbers, segment_ids)
    out = pl.pallas_call(
        _combine_body,
        out_shape=jax.ShapeDtypeStruct((ROWS, 128), jnp.float32),
    )(ps, pc)
    return out.reshape(-1)

# --- scband reference (transcript-rebuilt; emitter-appended) ---
"""Pipeline reference for scband-atom-ref-515396076323 (READ-ONLY COPY).

The authoritative reference and input builder live on the scoring server;
editing this copy changes nothing except your own understanding.
"""

import jax, jax.numpy as jnp
import numpy as np

B = 8192
TOTAL_ATOMS = 1048576
MAX_ELEM = 94


def setup_inputs(seed: int = 0) -> dict:
    key = jax.random.key(seed)
    k1, k2, k3 = jax.random.split(key, 3)
    # atomic_number - 1 in the torch code maps elements to 0..93; we generate the
    # 0-indexed element ids directly (values in [0, 94)).
    atomic_numbers = jax.random.randint(k1, (TOTAL_ATOMS,), 0, MAX_ELEM, dtype=jnp.int32)
    # graph membership of each atom (sorted, like concatenated graphs in a batch)
    segment_ids = jnp.sort(jax.random.randint(k2, (TOTAL_ATOMS,), 0, B, dtype=jnp.int32))
    # fc: nn.Linear(94, 1, bias=False) -> weight [1, 94] (frozen, pre-fitted)
    weight = jax.random.normal(k3, (1, MAX_ELEM), dtype=jnp.float32) * 0.1
    return {"weight": weight, "atomic_numbers": atomic_numbers, "segment_ids": segment_ids}


def reference(weight, atomic_numbers, segment_ids):
    # Per-graph composition histogram: torch.bincount(atomic_number - 1, minlength=94)
    # for each graph in the list, implemented as a 2D scatter-add over
    # (graph_id, element_id) pairs.
    comp = jnp.zeros((B, MAX_ELEM), dtype=jnp.float32).at[segment_ids, atomic_numbers].add(1.0)
    # is_intensive=True: divide by n_atom of each graph
    n_atoms = jnp.zeros((B,), dtype=jnp.float32).at[segment_ids].add(1.0)
    comp = comp / jnp.maximum(n_atoms, 1.0)[:, None]
    # self.fc(composition_feas).view(-1)
    ref_energy = (comp @ weight.T).reshape(-1)
    return ref_energy

if __name__ == "__main__":
    import jax
    _d = setup_inputs()
    print(jax.jit(kernel)(*tuple(_d.values())))

</pallas_src>

<mosaic_0001>
#map = affine_map<(d0, d1) -> (0)>
#map1 = affine_map<(d0, d1) -> (0, 0, 0)>
module attributes {stable_mosaic.version = 14 : i64} {
  func.func @_sc_hist(%arg0: i32, %arg1: i32, %arg2: memref<128xf32, #tpu.memory_space<hbm>>, %arg3: memref<1048576xi32, #tpu.memory_space<hbm>>, %arg4: memref<1048576xi32, #tpu.memory_space<hbm>>, %arg5: memref<2x64x128xf32, #tpu.memory_space<hbm>>, %arg6: memref<2x64x128xf32, #tpu.memory_space<hbm>>, %arg7: memref<32768xi32, #tpu.memory_space<vmem>>, %arg8: memref<32768xi32, #tpu.memory_space<vmem>>, %arg9: memref<128xf32, #tpu.memory_space<vmem>>, %arg10: memref<64x128xf32, #tpu.memory_space<vmem>>, %arg11: memref<64x128xf32, #tpu.memory_space<vmem>>, %arg12: memref<64xi32, #tpu.memory_space<vmem>>, %arg13: memref<4x128xf32, #tpu.memory_space<vmem>>, %arg14: memref<64x128xf32, #tpu.memory_space<vmem_shared>>, %arg15: memref<64x128xf32, #tpu.memory_space<vmem_shared>>, %arg16: memref<!tpu.dma_semaphore, #tpu.memory_space<semaphore_mem>>, %arg17: memref<!tpu.dma_semaphore, #tpu.memory_space<semaphore_mem>>, %arg18: memref<!tpu.dma_semaphore, #tpu.memory_space<semaphore_mem>>) attributes {dimension_semantics = [#tpu.dimension_semantics<core_parallel>, #tpu.dimension_semantics<subcore_parallel>], iteration_bounds = array<i64: 2, 16>, scalar_prefetch = 0 : i64, scratch_operands = 12 : i64, tpu.core_type = #tpu.core_type<sc_vector_subcore>, window_params = [{transform_indices = #map}, {transform_indices = #map}, {transform_indices = #map}, {transform_indices = #map1}, {transform_indices = #map1}]} {
    %mul3A = arith.constant 2 : i32
    %mul3A_0 = arith.muli %arg1, %mul3A : i32
    %add3A = arith.addi %mul3A_0, %arg0 : i32
    %mul3A_1 = arith.constant 32768 : i32
    %mul3A_2 = arith.muli %add3A, %mul3A_1 : i32
    tpu.enqueue_dma source(%arg2 : memref<128xf32, #tpu.memory_space<hbm>>) target(%arg9 : memref<128xf32, #tpu.memory_space<vmem>>) target_semaphore(%arg18 : memref<!tpu.dma_semaphore, #tpu.memory_space<semaphore_mem>>)
    %add3A_3 = arith.constant 0 : i32
    %add3A_4 = arith.addi %mul3A_2, %add3A_3 : i32
    %dma_start3A = arith.constant 0 : i32
    %dma_start3A_5 = tpu.memref_slice %arg7[%dma_start3A] : memref<32768xi32, #tpu.memory_space<vmem>> -> memref<16384xi32, #tpu.memory_space<vmem>>
    %dma_start3A_6 = tpu.memref_slice %arg3[%add3A_4] : memref<1048576xi32, #tpu.memory_space<hbm>> -> memref<16384xi32, #tpu.memory_space<hbm>>
    %dma_start3A_7 = arith.constant 0 : i32
    %dma_start3A_8 = tpu.memref_slice %arg7[%dma_start3A_7] : memref<32768xi32, #tpu.memory_space<vmem>> -> memref<16384xi32, #tpu.memory_space<vmem>>
    %dma_start3A_9 = tpu.memref_slice %arg3[%add3A_4] : memref<1048576xi32, #tpu.memory_space<hbm>> -> memref<16384xi32, #tpu.memory_space<hbm>>
    tpu.enqueue_dma source(%dma_start3A_9 : memref<16384xi32, #tpu.memory_space<hbm>>) target(%dma_start3A_8 : memref<16384xi32, #tpu.memory_space<vmem>>) target_semaphore(%arg16 : memref<!tpu.dma_semaphore, #tpu.memory_space<semaphore_mem>>)
    %add3A_10 = arith.constant 0 : i32
    %add3A_11 = arith.addi %mul3A_2, %add3A_10 : i32
    %dma_start3A_12 = arith.constant 0 : i32
    %dma_start3A_13 = tpu.memref_slice %arg8[%dma_start3A_12] : memref<32768xi32, #tpu.memory_space<vmem>> -> memref<16384xi32, #tpu.memory_space<vmem>>
    %dma_start3A_14 = tpu.memref_slice %arg4[%add3A_11] : memref<1048576xi32, #tpu.memory_space<hbm>> -> memref<16384xi32, #tpu.memory_space<hbm>>
    %dma_start3A_15 = arith.constant 0 : i32
    %dma_start3A_16 = tpu.memref_slice %arg8[%dma_start3A_15] : memref<32768xi32, #tpu.memory_space<vmem>> -> memref<16384xi32, #tpu.memory_space<vmem>>
    %dma_start3A_17 = tpu.memref_slice %arg4[%add3A_11] : memref<1048576xi32, #tpu.memory_space<hbm>> -> memref<16384xi32, #tpu.memory_space<hbm>>
    tpu.enqueue_dma source(%dma_start3A_17 : memref<16384xi32, #tpu.memory_space<hbm>>) target(%dma_start3A_16 : memref<16384xi32, #tpu.memory_space<vmem>>) target_semaphore(%arg16 : memref<!tpu.dma_semaphore, #tpu.memory_space<semaphore_mem>>)
    %add3A_18 = arith.constant 16384 : i32
    %add3A_19 = arith.addi %mul3A_2, %add3A_18 : i32
    %dma_start3A_20 = arith.constant 16384 : i32
    %dma_start3A_21 = tpu.memref_slice %arg7[%dma_start3A_20] : memref<32768xi32, #tpu.memory_space<vmem>> -> memref<16384xi32, #tpu.memory_space<vmem>>
    %dma_start3A_22 = tpu.memref_slice %arg3[%add3A_19] : memref<1048576xi32, #tpu.memory_space<hbm>> -> memref<16384xi32, #tpu.memory_space<hbm>>
    %dma_start3A_23 = arith.constant 16384 : i32
    %dma_start3A_24 = tpu.memref_slice %arg7[%dma_start3A_23] : memref<32768xi32, #tpu.memory_space<vmem>> -> memref<16384xi32, #tpu.memory_space<vmem>>
    %dma_start3A_25 = tpu.memref_slice %arg3[%add3A_19] : memref<1048576xi32, #tpu.memory_space<hbm>> -> memref<16384xi32, #tpu.memory_space<hbm>>
    tpu.enqueue_dma source(%dma_start3A_25 : memref<16384xi32, #tpu.memory_space<hbm>>) target(%dma_start3A_24 : memref<16384xi32, #tpu.memory_space<vmem>>) target_semaphore(%arg17 : memref<!tpu.dma_semaphore, #tpu.memory_space<semaphore_mem>>)
    %add3A_26 = arith.constant 16384 : i32
    %add3A_27 = arith.addi %mul3A_2, %add3A_26 : i32
    %dma_start3A_28 = arith.constant 16384 : i32
    %dma_start3A_29 = tpu.memref_slice %arg8[%dma_start3A_28] : memref<32768xi32, #tpu.memory_space<vmem>> -> memref<16384xi32, #tpu.memory_space<vmem>>
    %dma_start3A_30 = tpu.memref_slice %arg4[%add3A_27] : memref<1048576xi32, #tpu.memory_space<hbm>> -> memref<16384xi32, #tpu.memory_space<hbm>>
    %dma_start3A_31 = arith.constant 16384 : i32
    %dma_start3A_32 = tpu.memref_slice %arg8[%dma_start3A_31] : memref<32768xi32, #tpu.memory_space<vmem>> -> memref<16384xi32, #tpu.memory_space<vmem>>
    %dma_start3A_33 = tpu.memref_slice %arg4[%add3A_27] : memref<1048576xi32, #tpu.memory_space<hbm>> -> memref<16384xi32, #tpu.memory_space<hbm>>
    tpu.enqueue_dma source(%dma_start3A_33 : memref<16384xi32, #tpu.memory_space<hbm>>) target(%dma_start3A_32 : memref<16384xi32, #tpu.memory_space<vmem>>) target_semaphore(%arg17 : memref<!tpu.dma_semaphore, #tpu.memory_space<semaphore_mem>>)
    %broadcast_in_dim3A = arith.constant 0.000000e+00 : f32
    %broadcast_in_dim3A_34 = vector.broadcast %broadcast_in_dim3A : f32 to vector<16xf32>
    %iota3A = tpu.iota {dimensions = array<i32: 0>} : vector<16xi32>
    %parallel_loop3A = arith.constant 0 : i32
    %parallel_loop3A_35 = arith.constant 64 : i32
    %parallel_loop3A_36 = arith.constant 1 : i32
    scf.for %parallel_loop3A_99 = %parallel_loop3A to %parallel_loop3A_35 step %parallel_loop3A_36  : i32 {
      %parallel_loop3A_100 = arith.index_cast %parallel_loop3A_99 : i32 to index
      %parallel_loop3A_101 = arith.constant 0 : index
      %parallel_loop3A_102 = tpu.vector_load %arg10[%parallel_loop3A_100, %parallel_loop3A_101] {strides = array<i32>} : memref<64x128xf32, #tpu.memory_space<vmem>>, vector<16xf32>,
      tpu.vector_store %arg10[%parallel_loop3A_100, %parallel_loop3A_101], %broadcast_in_dim3A_34 {strides = array<i32>} : memref<64x128xf32, #tpu.memory_space<vmem>>, vector<16xf32>,
      %parallel_loop3A_103 = arith.index_cast %parallel_loop3A_99 : i32 to index
      %parallel_loop3A_104 = arith.constant 0 : index
      %parallel_loop3A_105 = tpu.vector_load %arg11[%parallel_loop3A_103, %parallel_loop3A_104] {strides = array<i32>} : memref<64x128xf32, #tpu.memory_space<vmem>>, vector<16xf32>,
      tpu.vector_store %arg11[%parallel_loop3A_103, %parallel_loop3A_104], %broadcast_in_dim3A_34 {strides = array<i32>} : memref<64x128xf32, #tpu.memory_space<vmem>>, vector<16xf32>,
      %parallel_loop3A_106 = arith.index_cast %parallel_loop3A_99 : i32 to index
      %parallel_loop3A_107 = arith.constant 16 : index
      %parallel_loop3A_108 = tpu.vector_load %arg10[%parallel_loop3A_106, %parallel_loop3A_107] {strides = array<i32>} : memref<64x128xf32, #tpu.memory_space<vmem>>, vector<16xf32>,
      tpu.vector_store %arg10[%parallel_loop3A_106, %parallel_loop3A_107], %broadcast_in_dim3A_34 {strides = array<i32>} : memref<64x128xf32, #tpu.memory_space<vmem>>, vector<16xf32>,
      %parallel_loop3A_109 = arith.index_cast %parallel_loop3A_99 : i32 to index
      %parallel_loop3A_110 = arith.constant 16 : index
      %parallel_loop3A_111 = tpu.vector_load %arg11[%parallel_loop3A_109, %parallel_loop3A_110] {strides = array<i32>} : memref<64x128xf32, #tpu.memory_space<vmem>>, vector<16xf32>,
      tpu.vector_store %arg11[%parallel_loop3A_109, %parallel_loop3A_110], %broadcast_in_dim3A_34 {strides = array<i32>} : memref<64x128xf32, #tpu.memory_space<vmem>>, vector<16xf32>,
      %parallel_loop3A_112 = arith.index_cast %parallel_loop3A_99 : i32 to index
      %parallel_loop3A_113 = arith.constant 32 : index
      %parallel_loop3A_114 = tpu.vector_load %arg10[%parallel_loop3A_112, %parallel_loop3A_113] {strides = array<i32>} : memref<64x128xf32, #tpu.memory_space<vmem>>, vector<16xf32>,
      tpu.vector_store %arg10[%parallel_loop3A_112, %parallel_loop3A_113], %broadcast_in_dim3A_34 {strides = array<i32>} : memref<64x128xf32, #tpu.memory_space<vmem>>, vector<16xf32>,
      %parallel_loop3A_115 = arith.index_cast %parallel_loop3A_99 : i32 to index
      %parallel_loop3A_116 = arith.constant 32 : index
      %parallel_loop3A_117 = tpu.vector_load %arg11[%parallel_loop3A_115, %parallel_loop3A_116] {strides = array<i32>} : memref<64x128xf32, #tpu.memory_space<vmem>>, vector<16xf32>,
      tpu.vector_store %arg11[%parallel_loop3A_115, %parallel_loop3A_116], %broadcast_in_dim3A_34 {strides = array<i32>} : memref<64x128xf32, #tpu.memory_space<vmem>>, vector<16xf32>,
      %parallel_loop3A_118 = arith.index_cast %parallel_loop3A_99 : i32 to index
      %parallel_loop3A_119 = arith.constant 48 : index
      %parallel_loop3A_120 = tpu.vector_load %arg10[%parallel_loop3A_118, %parallel_loop3A_119] {strides = array<i32>} : memref<64x128xf32, #tpu.memory_space<vmem>>, vector<16xf32>,
      tpu.vector_store %arg10[%parallel_loop3A_118, %parallel_loop3A_119], %broadcast_in_dim3A_34 {strides = array<i32>} : memref<64x128xf32, #tpu.memory_space<vmem>>, vector<16xf32>,
      %parallel_loop3A_121 = arith.index_cast %parallel_loop3A_99 : i32 to index
      %parallel_loop3A_122 = arith.constant 48 : index
      %parallel_loop3A_123 = tpu.vector_load %arg11[%parallel_loop3A_121, %parallel_loop3A_122] {strides = array<i32>} : memref<64x128xf32, #tpu.memory_space<vmem>>, vector<16xf32>,
      tpu.vector_store %arg11[%parallel_loop3A_121, %parallel_loop3A_122], %broadcast_in_dim3A_34 {strides = array<i32>} : memref<64x128xf32, #tpu.memory_space<vmem>>, vector<16xf32>,
      %parallel_loop3A_124 = arith.index_cast %parallel_loop3A_99 : i32 to index
      %parallel_loop3A_125 = arith.constant 64 : index
      %parallel_loop3A_126 = tpu.vector_load %arg10[%parallel_loop3A_124, %parallel_loop3A_125] {strides = array<i32>} : memref<64x128xf32, #tpu.memory_space<vmem>>, vector<16xf32>,
      tpu.vector_store %arg10[%parallel_loop3A_124, %parallel_loop3A_125], %broadcast_in_dim3A_34 {strides = array<i32>} : memref<64x128xf32, #tpu.memory_space<vmem>>, vector<16xf32>,
      %parallel_loop3A_127 = arith.index_cast %parallel_loop3A_99 : i32 to index
      %parallel_loop3A_128 = arith.constant 64 : index
      %parallel_loop3A_129 = tpu.vector_load %arg11[%parallel_loop3A_127, %parallel_loop3A_128] {strides = array<i32>} : memref<64x128xf32, #tpu.memory_space<vmem>>, vector<16xf32>,
      tpu.vector_store %arg11[%parallel_loop3A_127, %parallel_loop3A_128], %broadcast_in_dim3A_34 {strides = array<i32>} : memref<64x128xf32, #tpu.memory_space<vmem>>, vector<16xf32>,
      %parallel_loop3A_130 = arith.index_cast %parallel_loop3A_99 : i32 to index
      %parallel_loop3A_131 = arith.constant 80 : index
      %parallel_loop3A_132 = tpu.vector_load %arg10[%parallel_loop3A_130, %parallel_loop3A_131] {strides = array<i32>} : memref<64x128xf32, #tpu.memory_space<vmem>>, vector<16xf32>,
      tpu.vector_store %arg10[%parallel_loop3A_130, %parallel_loop3A_131], %broadcast_in_dim3A_34 {strides = array<i32>} : memref<64x128xf32, #tpu.memory_space<vmem>>, vector<16xf32>,
      %parallel_loop3A_133 = arith.index_cast %parallel_loop3A_99 : i32 to index
      %parallel_loop3A_134 = arith.constant 80 : index
      %parallel_loop3A_135 = tpu.vector_load %arg11[%parallel_loop3A_133, %parallel_loop3A_134] {strides = array<i32>} : memref<64x128xf32, #tpu.memory_space<vmem>>, vector<16xf32>,
      tpu.vector_store %arg11[%parallel_loop3A_133, %parallel_loop3A_134], %broadcast_in_dim3A_34 {strides = array<i32>} : memref<64x128xf32, #tpu.memory_space<vmem>>, vector<16xf32>,
      %parallel_loop3A_136 = arith.index_cast %parallel_loop3A_99 : i32 to index
      %parallel_loop3A_137 = arith.constant 96 : index
      %parallel_loop3A_138 = tpu.vector_load %arg10[%parallel_loop3A_136, %parallel_loop3A_137] {strides = array<i32>} : memref<64x128xf32, #tpu.memory_space<vmem>>, vector<16xf32>,
      tpu.vector_store %arg10[%parallel_loop3A_136, %parallel_loop3A_137], %broadcast_in_dim3A_34 {strides = array<i32>} : memref<64x128xf32, #tpu.memory_space<vmem>>, vector<16xf32>,
      %parallel_loop3A_139 = arith.index_cast %parallel_loop3A_99 : i32 to index
      %parallel_loop3A_140 = arith.constant 96 : index
      %parallel_loop3A_141 = tpu.vector_load %arg11[%parallel_loop3A_139, %parallel_loop3A_140] {strides = array<i32>} : memref<64x128xf32, #tpu.memory_space<vmem>>, vector<16xf32>,
      tpu.vector_store %arg11[%parallel_loop3A_139, %parallel_loop3A_140], %broadcast_in_dim3A_34 {strides = array<i32>} : memref<64x128xf32, #tpu.memory_space<vmem>>, vector<16xf32>,
      %parallel_loop3A_142 = arith.index_cast %parallel_loop3A_99 : i32 to index
      %parallel_loop3A_143 = arith.constant 112 : index
      %parallel_loop3A_144 = tpu.vector_load %arg10[%parallel_loop3A_142, %parallel_loop3A_143] {strides = array<i32>} : memref<64x128xf32, #tpu.memory_space<vmem>>, vector<16xf32>,
      tpu.vector_store %arg10[%parallel_loop3A_142, %parallel_loop3A_143], %broadcast_in_dim3A_34 {strides = array<i32>} : memref<64x128xf32, #tpu.memory_space<vmem>>, vector<16xf32>,
      %parallel_loop3A_145 = arith.index_cast %parallel_loop3A_99 : i32 to index
      %parallel_loop3A_146 = arith.constant 112 : index
      %parallel_loop3A_147 = tpu.vector_load %arg11[%parallel_loop3A_145, %parallel_loop3A_146] {strides = array<i32>} : memref<64x128xf32, #tpu.memory_space<vmem>>, vector<16xf32>,
      tpu.vector_store %arg11[%parallel_loop3A_145, %parallel_loop3A_146], %broadcast_in_dim3A_34 {strides = array<i32>} : memref<64x128xf32, #tpu.memory_space<vmem>>, vector<16xf32>,
    } {sc.loop_unroll_factor = 8 : i64, sc.parallel_access}
    %parallel_loop3A_37 = arith.constant 0 : i32
    %parallel_loop3A_38 = arith.constant 4 : i32
    %parallel_loop3A_39 = arith.constant 1 : i32
    scf.for %parallel_loop3A_99 = %parallel_loop3A_37 to %parallel_loop3A_38 step %parallel_loop3A_39  : i32 {
      %parallel_loop3A_100 = arith.constant 16 : i32
      %parallel_loop3A_101 = arith.muli %parallel_loop3A_99, %parallel_loop3A_100 : i32
      %parallel_loop3A_102 = vector.broadcast %parallel_loop3A_101 : i32 to vector<16xi32>
      %parallel_loop3A_103 = arith.addi %iota3A, %parallel_loop3A_102 : vector<16xi32>
      %parallel_loop3A_104 = arith.constant 16 : i32
      %parallel_loop3A_105 = arith.muli %parallel_loop3A_99, %parallel_loop3A_104 : i32
      %parallel_loop3A_106 = arith.index_cast %parallel_loop3A_105 : i32 to index
      %parallel_loop3A_107 = tpu.vector_load %arg12[%parallel_loop3A_106] {strides = array<i32>} : memref<64xi32, #tpu.memory_space<vmem>>, vector<16xi32>,
      tpu.vector_store %arg12[%parallel_loop3A_106], %parallel_loop3A_103 {strides = array<i32>} : memref<64xi32, #tpu.memory_space<vmem>>, vector<16xi32>,
    } {sc.loop_unroll_factor = 4 : i64, sc.parallel_access}
    %add3A_40 = arith.constant 1 : i32
    %add3A_41 = vector.broadcast %add3A_40 : i32 to vector<16xi32>
    %add3A_42 = arith.addi %iota3A, %add3A_41 : vector<16xi32>
    %min3A = arith.constant 15 : i32
    %min3A_43 = vector.broadcast %min3A : i32 to vector<16xi32>
    %min3A_44 = arith.minsi %add3A_42, %min3A_43 : vector<16xi32>
    %sub3A = arith.constant 1 : i32
    %sub3A_45 = vector.broadcast %sub3A : i32 to vector<16xi32>
    %sub3A_46 = arith.subi %iota3A, %sub3A_45 : vector<16xi32>
    %max3A = arith.constant 0 : i32
    %max3A_47 = vector.broadcast %max3A : i32 to vector<16xi32>
    %max3A_48 = arith.maxsi %sub3A_46, %max3A_47 : vector<16xi32>
    %eq3A = arith.constant 15 : i32
    %eq3A_49 = vector.broadcast %eq3A : i32 to vector<16xi32>
    %eq3A_50 = arith.cmpi eq, %iota3A, %eq3A_49 : vector<16xi32>
    %eq3A_51 = arith.constant 0 : i32
    %eq3A_52 = vector.broadcast %eq3A_51 : i32 to vector<16xi32>
    %eq3A_53 = arith.cmpi eq, %iota3A, %eq3A_52 : vector<16xi32>
    tpu.wait_dma2 semaphore(%arg18 : memref<!tpu.dma_semaphore, #tpu.memory_space<semaphore_mem>>) src(%arg2 : memref<128xf32, #tpu.memory_space<hbm>>) dst(%arg9 : memref<128xf32, #tpu.memory_space<vmem>>)
    %dma_wait3A = arith.constant 0 : i32
    %dma_wait3A_54 = tpu.memref_slice %arg7[%dma_wait3A] : memref<32768xi32, #tpu.memory_space<vmem>> -> memref<16384xi32, #tpu.memory_space<vmem>>
    %dma_wait3A_55 = tpu.memref_slice %arg3[%add3A_4] : memref<1048576xi32, #tpu.memory_space<hbm>> -> memref<16384xi32, #tpu.memory_space<hbm>>
    %dma_wait3A_56 = arith.constant 0 : i32
    %dma_wait3A_57 = tpu.memref_slice %arg7[%dma_wait3A_56] : memref<32768xi32, #tpu.memory_space<vmem>> -> memref<16384xi32, #tpu.memory_space<vmem>>
    %dma_wait3A_58 = tpu.memref_slice %arg3[%add3A_4] : memref<1048576xi32, #tpu.memory_space<hbm>> -> memref<16384xi32, #tpu.memory_space<hbm>>
    tpu.wait_dma2 semaphore(%arg16 : memref<!tpu.dma_semaphore, #tpu.memory_space<semaphore_mem>>) src(%dma_wait3A_58 : memref<16384xi32, #tpu.memory_space<hbm>>) dst(%dma_wait3A_57 : memref<16384xi32, #tpu.memory_space<vmem>>)
    %dma_wait3A_59 = arith.constant 0 : i32
    %dma_wait3A_60 = tpu.memref_slice %arg8[%dma_wait3A_59] : memref<32768xi32, #tpu.memory_space<vmem>> -> memref<16384xi32, #tpu.memory_space<vmem>>
    %dma_wait3A_61 = tpu.memref_slice %arg4[%add3A_11] : memref<1048576xi32, #tpu.memory_space<hbm>> -> memref<16384xi32, #tpu.memory_space<hbm>>
    %dma_wait3A_62 = arith.constant 0 : i32
    %dma_wait3A_63 = tpu.memref_slice %arg8[%dma_wait3A_62] : memref<32768xi32, #tpu.memory_space<vmem>> -> memref<16384xi32, #tpu.memory_space<vmem>>
    %dma_wait3A_64 = tpu.memref_slice %arg4[%add3A_11] : memref<1048576xi32, #tpu.memory_space<hbm>> -> memref<16384xi32, #tpu.memory_space<hbm>>
    tpu.wait_dma2 semaphore(%arg16 : memref<!tpu.dma_semaphore, #tpu.memory_space<semaphore_mem>>) src(%dma_wait3A_64 : memref<16384xi32, #tpu.memory_space<hbm>>) dst(%dma_wait3A_63 : memref<16384xi32, #tpu.memory_space<vmem>>)
    %parallel_loop3A_65 = arith.constant 0 : i32
    %parallel_loop3A_66 = arith.constant 1024 : i32
    %parallel_loop3A_67 = arith.constant 1 : i32
    scf.for %parallel_loop3A_99 = %parallel_loop3A_65 to %parallel_loop3A_66 step %parallel_loop3A_67  : i32 {
      %parallel_loop3A_100 = arith.constant 16 : i32
      %parallel_loop3A_101 = arith.muli %parallel_loop3A_99, %parallel_loop3A_100 : i32
      %parallel_loop3A_102 = arith.index_cast %parallel_loop3A_101 : i32 to index
      %parallel_loop3A_103 = tpu.vector_load %arg7[%parallel_loop3A_102] {strides = array<i32>} : memref<32768xi32, #tpu.memory_space<vmem>>, vector<16xi32>,
      %parallel_loop3A_104 = arith.constant 16 : i32
      %parallel_loop3A_105 = arith.muli %parallel_loop3A_99, %parallel_loop3A_104 : i32
      %parallel_loop3A_106 = arith.index_cast %parallel_loop3A_105 : i32 to index
      %parallel_loop3A_107 = tpu.vector_load %arg8[%parallel_loop3A_106] {strides = array<i32>} : memref<32768xi32, #tpu.memory_space<vmem>>, vector<16xi32>,
      %parallel_loop3A_108 = tpu.vector_load_idx %arg9[%parallel_loop3A_103] : memref<128xf32, #tpu.memory_space<vmem>>[vector<16xi32>], vector<16xf32>,
      %parallel_loop3A_109 = arith.constant 0 : i32
      %parallel_loop3A_110 = vector.broadcast %parallel_loop3A_109 : i32 to vector<16xi32>
      %parallel_loop3A_111 = arith.cmpi slt, %min3A_44, %parallel_loop3A_110 : vector<16xi32>
      %parallel_loop3A_112 = arith.constant 16 : i32
      %parallel_loop3A_113 = vector.broadcast %parallel_loop3A_112 : i32 to vector<16xi32>
      %parallel_loop3A_114 = arith.addi %min3A_44, %parallel_loop3A_113 : vector<16xi32>
      %parallel_loop3A_115 = arith.select %parallel_loop3A_111, %parallel_loop3A_114, %min3A_44 : vector<16xi1>, vector<16xi32>
      %parallel_loop3A_116 = vector.shape_cast %parallel_loop3A_115 : vector<16xi32> to vector<16x1xi32>
      %parallel_loop3A_117 = vector.shape_cast %parallel_loop3A_116 : vector<16x1xi32> to vector<16xi32>
      %parallel_loop3A_118 = tpu.dynamic_gather %parallel_loop3A_107[%parallel_loop3A_117] in [0] : vector<16xi32>, vector<16xi32> -> vector<16xi32>
      %parallel_loop3A_119 = arith.cmpi ne, %parallel_loop3A_107, %parallel_loop3A_118 : vector<16xi32>
      %parallel_loop3A_120 = arith.ori %eq3A_50, %parallel_loop3A_119 : vector<16xi1>
      %parallel_loop3A_121 = arith.constant true
      %parallel_loop3A_122 = vector.broadcast %parallel_loop3A_121 : i1 to vector<16xi1>
      %parallel_loop3A_123 = tpu.scan <sum>, %parallel_loop3A_108 masked %parallel_loop3A_122 : vector<16xf32>, vector<16xi1> -> vector<16xf32>
      %parallel_loop3A_124 = arith.constant -1 : i32
      %parallel_loop3A_125 = vector.broadcast %parallel_loop3A_124 : i32 to vector<16xi32>
      %parallel_loop3A_126 = arith.select %parallel_loop3A_120, %iota3A, %parallel_loop3A_125 : vector<16xi1>, vector<16xi32>
      %parallel_loop3A_127 = arith.constant true
      %parallel_loop3A_128 = vector.broadcast %parallel_loop3A_127 : i1 to vector<16xi1>
      %parallel_loop3A_129 = arith.constant -2147483648 : i32
      %parallel_loop3A_130 = vector.broadcast %parallel_loop3A_129 : i32 to vector<16xi32>
      %parallel_loop3A_131 = arith.xori %parallel_loop3A_126, %parallel_loop3A_130 : vector<16xi32>
      %parallel_loop3A_132 = tpu.scan <max>, %parallel_loop3A_131 masked %parallel_loop3A_128 : vector<16xi32>, vector<16xi1> -> vector<16xi32>
      %parallel_loop3A_133 = arith.xori %parallel_loop3A_132, %parallel_loop3A_130 : vector<16xi32>
      %parallel_loop3A_134 = arith.constant 0 : i32
      %parallel_loop3A_135 = vector.broadcast %parallel_loop3A_134 : i32 to vector<16xi32>
      %parallel_loop3A_136 = arith.cmpi slt, %max3A_48, %parallel_loop3A_135 : vector<16xi32>
      %parallel_loop3A_137 = arith.constant 16 : i32
      %parallel_loop3A_138 = vector.broadcast %parallel_loop3A_137 : i32 to vector<16xi32>
      %parallel_loop3A_139 = arith.addi %max3A_48, %parallel_loop3A_138 : vector<16xi32>
      %parallel_loop3A_140 = arith.select %parallel_loop3A_136, %parallel_loop3A_139, %max3A_48 : vector<16xi1>, vector<16xi32>
      %parallel_loop3A_141 = vector.shape_cast %parallel_loop3A_140 : vector<16xi32> to vector<16x1xi32>
      %parallel_loop3A_142 = vector.shape_cast %parallel_loop3A_141 : vector<16x1xi32> to vector<16xi32>
      %parallel_loop3A_143 = tpu.dynamic_gather %parallel_loop3A_133[%parallel_loop3A_142] in [0] : vector<16xi32>, vector<16xi32> -> vector<16xi32>
      %parallel_loop3A_144 = arith.constant -1 : i32
      %parallel_loop3A_145 = vector.broadcast %parallel_loop3A_144 : i32 to vector<16xi32>
      %parallel_loop3A_146 = arith.select %eq3A_53, %parallel_loop3A_145, %parallel_loop3A_143 : vector<16xi1>, vector<16xi32>
      %parallel_loop3A_147 = arith.constant 0 : i32
      %parallel_loop3A_148 = vector.broadcast %parallel_loop3A_147 : i32 to vector<16xi32>
      %parallel_loop3A_149 = arith.cmpi sge, %parallel_loop3A_146, %parallel_loop3A_148 : vector<16xi32>
      %parallel_loop3A_150 = arith.constant 0 : i32
      %parallel_loop3A_151 = vector.broadcast %parallel_loop3A_150 : i32 to vector<16xi32>
      %parallel_loop3A_152 = arith.maxsi %parallel_loop3A_146, %parallel_loop3A_151 : vector<16xi32>
      %parallel_loop3A_153 = arith.constant 0 : i32
      %parallel_loop3A_154 = vector.broadcast %parallel_loop3A_153 : i32 to vector<16xi32>
      %parallel_loop3A_155 = arith.cmpi slt, %parallel_loop3A_152, %parallel_loop3A_154 : vector<16xi32>
      %parallel_loop3A_156 = arith.constant 16 : i32
      %parallel_loop3A_157 = vector.broadcast %parallel_loop3A_156 : i32 to vector<16xi32>
      %parallel_loop3A_158 = arith.addi %parallel_loop3A_152, %parallel_loop3A_157 : vector<16xi32>
      %parallel_loop3A_159 = arith.select %parallel_loop3A_155, %parallel_loop3A_158, %parallel_loop3A_152 : vector<16xi1>, vector<16xi32>
      %parallel_loop3A_160 = vector.shape_cast %parallel_loop3A_159 : vector<16xi32> to vector<16x1xi32>
      %parallel_loop3A_161 = vector.shape_cast %parallel_loop3A_160 : vector<16x1xi32> to vector<16xi32>
      %parallel_loop3A_162 = tpu.dynamic_gather %parallel_loop3A_123[%parallel_loop3A_161] in [0] : vector<16xf32>, vector<16xi32> -> vector<16xf32>
      %parallel_loop3A_163 = arith.constant 0.000000e+00 : f32
      %parallel_loop3A_164 = vector.broadcast %parallel_loop3A_163 : f32 to vector<16xf32>
      %parallel_loop3A_165 = arith.select %parallel_loop3A_149, %parallel_loop3A_162, %parallel_loop3A_164 : vector<16xi1>, vector<16xf32>
      %parallel_loop3A_166 = arith.constant 7 : i32
      %parallel_loop3A_167 = vector.broadcast %parallel_loop3A_166 : i32 to vector<16xi32>
      %parallel_loop3A_168 = arith.shrui %parallel_loop3A_107, %parallel_loop3A_167 : vector<16xi32>
      %parallel_loop3A_169 = arith.constant 127 : i32
      %parallel_loop3A_170 = vector.broadcast %parallel_loop3A_169 : i32 to vector<16xi32>
      %parallel_loop3A_171 = arith.andi %parallel_loop3A_107, %parallel_loop3A_170 : vector<16xi32>
      %parallel_loop3A_172 = arith.subf %parallel_loop3A_123, %parallel_loop3A_165 : vector<16xf32>
      tpu.vector_store_idx %arg10[%parallel_loop3A_168, %parallel_loop3A_171], %parallel_loop3A_172 masked %parallel_loop3A_120 {add = true} : memref<64x128xf32, #tpu.memory_space<vmem>>[vector<16xi32>, vector<16xi32>], vector<16xf32>, vector<16xi1>
      %parallel_loop3A_173 = arith.subi %iota3A, %parallel_loop3A_146 : vector<16xi32>
      %parallel_loop3A_174 = arith.sitofp %parallel_loop3A_173 : vector<16xi32> to vector<16xf32>
      tpu.vector_store_idx %arg11[%parallel_loop3A_168, %parallel_loop3A_171], %parallel_loop3A_174 masked %parallel_loop3A_120 {add = true} : memref<64x128xf32, #tpu.memory_space<vmem>>[vector<16xi32>, vector<16xi32>], vector<16xf32>, vector<16xi1>
    } {sc.loop_unroll_factor = 8 : i64, sc.parallel_access}
    %dma_wait3A_68 = arith.constant 16384 : i32
    %dma_wait3A_69 = tpu.memref_slice %arg7[%dma_wait3A_68] : memref<32768xi32, #tpu.memory_space<vmem>> -> memref<16384xi32, #tpu.memory_space<vmem>>
    %dma_wait3A_70 = tpu.memref_slice %arg3[%add3A_19] : memref<1048576xi32, #tpu.memory_space<hbm>> -> memref<16384xi32, #tpu.memory_space<hbm>>
    %dma_wait3A_71 = arith.constant 16384 : i32
    %dma_wait3A_72 = tpu.memref_slice %arg7[%dma_wait3A_71] : memref<32768xi32, #tpu.memory_space<vmem>> -> memref<16384xi32, #tpu.memory_space<vmem>>
    %dma_wait3A_73 = tpu.memref_slice %arg3[%add3A_19] : memref<1048576xi32, #tpu.memory_space<hbm>> -> memref<16384xi32, #tpu.memory_space<hbm>>
    tpu.wait_dma2 semaphore(%arg17 : memref<!tpu.dma_semaphore, #tpu.memory_space<semaphore_mem>>) src(%dma_wait3A_73 : memref<16384xi32, #tpu.memory_space<hbm>>) dst(%dma_wait3A_72 : memref<16384xi32, #tpu.memory_space<vmem>>)
    %dma_wait3A_74 = arith.constant 16384 : i32
    %dma_wait3A_75 = tpu.memref_slice %arg8[%dma_wait3A_74] : memref<32768xi32, #tpu.memory_space<vmem>> -> memref<16384xi32, #tpu.memory_space<vmem>>
    %dma_wait3A_76 = tpu.memref_slice %arg4[%add3A_27] : memref<1048576xi32, #tpu.memory_space<hbm>> -> memref<16384xi32, #tpu.memory_space<hbm>>
    %dma_wait3A_77 = arith.constant 16384 : i32
    %dma_wait3A_78 = tpu.memref_slice %arg8[%dma_wait3A_77] : memref<32768xi32, #tpu.memory_space<vmem>> -> memref<16384xi32, #tpu.memory_space<vmem>>
    %dma_wait3A_79 = tpu.memref_slice %arg4[%add3A_27] : memref<1048576xi32, #tpu.memory_space<hbm>> -> memref<16384xi32, #tpu.memory_space<hbm>>
    tpu.wait_dma2 semaphore(%arg17 : memref<!tpu.dma_semaphore, #tpu.memory_space<semaphore_mem>>) src(%dma_wait3A_79 : memref<16384xi32, #tpu.memory_space<hbm>>) dst(%dma_wait3A_78 : memref<16384xi32, #tpu.memory_space<vmem>>)
    %parallel_loop3A_80 = arith.constant 1024 : i32
    %parallel_loop3A_81 = arith.constant 2048 : i32
    %parallel_loop3A_82 = arith.constant 1 : i32
    scf.for %parallel_loop3A_99 = %parallel_loop3A_80 to %parallel_loop3A_81 step %parallel_loop3A_82  : i32 {
      %parallel_loop3A_100 = arith.constant 16 : i32
      %parallel_loop3A_101 = arith.muli %parallel_loop3A_99, %parallel_loop3A_100 : i32
      %parallel_loop3A_102 = arith.index_cast %parallel_loop3A_101 : i32 to index
      %parallel_loop3A_103 = tpu.vector_load %arg7[%parallel_loop3A_102] {strides = array<i32>} : memref<32768xi32, #tpu.memory_space<vmem>>, vector<16xi32>,
      %parallel_loop3A_104 = arith.constant 16 : i32
      %parallel_loop3A_105 = arith.muli %parallel_loop3A_99, %parallel_loop3A_104 : i32
      %parallel_loop3A_106 = arith.index_cast %parallel_loop3A_105 : i32 to index
      %parallel_loop3A_107 = tpu.vector_load %arg8[%parallel_loop3A_106] {strides = array<i32>} : memref<32768xi32, #tpu.memory_space<vmem>>, vector<16xi32>,
      %parallel_loop3A_108 = tpu.vector_load_idx %arg9[%parallel_loop3A_103] : memref<128xf32, #tpu.memory_space<vmem>>[vector<16xi32>], vector<16xf32>,
      %parallel_loop3A_109 = arith.constant 0 : i32
      %parallel_loop3A_110 = vector.broadcast %parallel_loop3A_109 : i32 to vector<16xi32>
      %parallel_loop3A_111 = arith.cmpi slt, %min3A_44, %parallel_loop3A_110 : vector<16xi32>
      %parallel_loop3A_112 = arith.constant 16 : i32
      %parallel_loop3A_113 = vector.broadcast %parallel_loop3A_112 : i32 to vector<16xi32>
      %parallel_loop3A_114 = arith.addi %min3A_44, %parallel_loop3A_113 : vector<16xi32>
      %parallel_loop3A_115 = arith.select %parallel_loop3A_111, %parallel_loop3A_114, %min3A_44 : vector<16xi1>, vector<16xi32>
      %parallel_loop3A_116 = vector.shape_cast %parallel_loop3A_115 : vector<16xi32> to vector<16x1xi32>
      %parallel_loop3A_117 = vector.shape_cast %parallel_loop3A_116 : vector<16x1xi32> to vector<16xi32>
      %parallel_loop3A_118 = tpu.dynamic_gather %parallel_loop3A_107[%parallel_loop3A_117] in [0] : vector<16xi32>, vector<16xi32> -> vector<16xi32>
      %parallel_loop3A_119 = arith.cmpi ne, %parallel_loop3A_107, %parallel_loop3A_118 : vector<16xi32>
      %parallel_loop3A_120 = arith.ori %eq3A_50, %parallel_loop3A_119 : vector<16xi1>
      %parallel_loop3A_121 = arith.constant true
      %parallel_loop3A_122 = vector.broadcast %parallel_loop3A_121 : i1 to vector<16xi1>
      %parallel_loop3A_123 = tpu.scan <sum>, %parallel_loop3A_108 masked %parallel_loop3A_122 : vector<16xf32>, vector<16xi1> -> vector<16xf32>
      %parallel_loop3A_124 = arith.constant -1 : i32
      %parallel_loop3A_125 = vector.broadcast %parallel_loop3A_124 : i32 to vector<16xi32>
      %parallel_loop3A_126 = arith.select %parallel_loop3A_120, %iota3A, %parallel_loop3A_125 : vector<16xi1>, vector<16xi32>
      %parallel_loop3A_127 = arith.constant true
      %parallel_loop3A_128 = vector.broadcast %parallel_loop3A_127 : i1 to vector<16xi1>
      %parallel_loop3A_129 = arith.constant -2147483648 : i32
      %parallel_loop3A_130 = vector.broadcast %parallel_loop3A_129 : i32 to vector<16xi32>
      %parallel_loop3A_131 = arith.xori %parallel_loop3A_126, %parallel_loop3A_130 : vector<16xi32>
      %parallel_loop3A_132 = tpu.scan <max>, %parallel_loop3A_131 masked %parallel_loop3A_128 : vector<16xi32>, vector<16xi1> -> vector<16xi32>
      %parallel_loop3A_133 = arith.xori %parallel_loop3A_132, %parallel_loop3A_130 : vector<16xi32>
      %parallel_loop3A_134 = arith.constant 0 : i32
      %parallel_loop3A_135 = vector.broadcast %parallel_loop3A_134 : i32 to vector<16xi32>
      %parallel_loop3A_136 = arith.cmpi slt, %max3A_48, %parallel_loop3A_135 : vector<16xi32>
      %parallel_loop3A_137 = arith.constant 16 : i32
      %parallel_loop3A_138 = vector.broadcast %parallel_loop3A_137 : i32 to vector<16xi32>
      %parallel_loop3A_139 = arith.addi %max3A_48, %parallel_loop3A_138 : vector<16xi32>
      %parallel_loop3A_140 = arith.select %parallel_loop3A_136, %parallel_loop3A_139, %max3A_48 : vector<16xi1>, vector<16xi32>
      %parallel_loop3A_141 = vector.shape_cast %parallel_loop3A_140 : vector<16xi32> to vector<16x1xi32>
      %parallel_loop3A_142 = vector.shape_cast %parallel_loop3A_141 : vector<16x1xi32> to vector<16xi32>
      %parallel_loop3A_143 = tpu.dynamic_gather %parallel_loop3A_133[%parallel_loop3A_142] in [0] : vector<16xi32>, vector<16xi32> -> vector<16xi32>
      %parallel_loop3A_144 = arith.constant -1 : i32
      %parallel_loop3A_145 = vector.broadcast %parallel_loop3A_144 : i32 to vector<16xi32>
      %parallel_loop3A_146 = arith.select %eq3A_53, %parallel_loop3A_145, %parallel_loop3A_143 : vector<16xi1>, vector<16xi32>
      %parallel_loop3A_147 = arith.constant 0 : i32
      %parallel_loop3A_148 = vector.broadcast %parallel_loop3A_147 : i32 to vector<16xi32>
      %parallel_loop3A_149 = arith.cmpi sge, %parallel_loop3A_146, %parallel_loop3A_148 : vector<16xi32>
      %parallel_loop3A_150 = arith.constant 0 : i32
      %parallel_loop3A_151 = vector.broadcast %parallel_loop3A_150 : i32 to vector<16xi32>
      %parallel_loop3A_152 = arith.maxsi %parallel_loop3A_146, %parallel_loop3A_151 : vector<16xi32>
      %parallel_loop3A_153 = arith.constant 0 : i32
      %parallel_loop3A_154 = vector.broadcast %parallel_loop3A_153 : i32 to vector<16xi32>
      %parallel_loop3A_155 = arith.cmpi slt, %parallel_loop3A_152, %parallel_loop3A_154 : vector<16xi32>
      %parallel_loop3A_156 = arith.constant 16 : i32
      %parallel_loop3A_157 = vector.broadcast %parallel_loop3A_156 : i32 to vector<16xi32>
      %parallel_loop3A_158 = arith.addi %parallel_loop3A_152, %parallel_loop3A_157 : vector<16xi32>
      %parallel_loop3A_159 = arith.select %parallel_loop3A_155, %parallel_loop3A_158, %parallel_loop3A_152 : vector<16xi1>, vector<16xi32>
      %parallel_loop3A_160 = vector.shape_cast %parallel_loop3A_159 : vector<16xi32> to vector<16x1xi32>
      %parallel_loop3A_161 = vector.shape_cast %parallel_loop3A_160 : vector<16x1xi32> to vector<16xi32>
      %parallel_loop3A_162 = tpu.dynamic_gather %parallel_loop3A_123[%parallel_loop3A_161] in [0] : vector<16xf32>, vector<16xi32> -> vector<16xf32>
      %parallel_loop3A_163 = arith.constant 0.000000e+00 : f32
      %parallel_loop3A_164 = vector.broadcast %parallel_loop3A_163 : f32 to vector<16xf32>
      %parallel_loop3A_165 = arith.select %parallel_loop3A_149, %parallel_loop3A_162, %parallel_loop3A_164 : vector<16xi1>, vector<16xf32>
      %parallel_loop3A_166 = arith.constant 7 : i32
      %parallel_loop3A_167 = vector.broadcast %parallel_loop3A_166 : i32 to vector<16xi32>
      %parallel_loop3A_168 = arith.shrui %parallel_loop3A_107, %parallel_loop3A_167 : vector<16xi32>
      %parallel_loop3A_169 = arith.constant 127 : i32
      %parallel_loop3A_170 = vector.broadcast %parallel_loop3A_169 : i32 to vector<16xi32>
      %parallel_loop3A_171 = arith.andi %parallel_loop3A_107, %parallel_loop3A_170 : vector<16xi32>
      %parallel_loop3A_172 = arith.subf %parallel_loop3A_123, %parallel_loop3A_165 : vector<16xf32>
      tpu.vector_store_idx %arg10[%parallel_loop3A_168, %parallel_loop3A_171], %parallel_loop3A_172 masked %parallel_loop3A_120 {add = true} : memref<64x128xf32, #tpu.memory_space<vmem>>[vector<16xi32>, vector<16xi32>], vector<16xf32>, vector<16xi1>
      %parallel_loop3A_173 = arith.subi %iota3A, %parallel_loop3A_146 : vector<16xi32>
      %parallel_loop3A_174 = arith.sitofp %parallel_loop3A_173 : vector<16xi32> to vector<16xf32>
      tpu.vector_store_idx %arg11[%parallel_loop3A_168, %parallel_loop3A_171], %parallel_loop3A_174 masked %parallel_loop3A_120 {add = true} : memref<64x128xf32, #tpu.memory_space<vmem>>[vector<16xi32>, vector<16xi32>], vector<16xf32>, vector<16xi1>
    } {sc.loop_unroll_factor = 8 : i64, sc.parallel_access}
    %eq3A_83 = arith.constant 0 : i32
    %eq3A_84 = arith.cmpi eq, %arg1, %eq3A_83 : i32
    %convert_element_type3A = arith.extui %eq3A_84 : i1 to i32
    %cond3A = arith.constant 0 : i32
    %cond3A_85 = arith.cmpi ne, %convert_element_type3A, %cond3A : i32
    scf.if %cond3A_85 {
      "tpu.region"() ({
        %run_scoped3A = tpu.sem_alloc : memref<!tpu.dma_semaphore, #tpu.memory_space<semaphore_mem>>
        tpu.enqueue_dma source(%arg10 : memref<64x128xf32, #tpu.memory_space<vmem>>) target(%arg14 : memref<64x128xf32, #tpu.memory_space<vmem_shared>>) target_semaphore(%run_scoped3A : memref<!tpu.dma_semaphore, #tpu.memory_space<semaphore_mem>>)
        tpu.wait_dma2 semaphore(%run_scoped3A : memref<!tpu.dma_semaphore, #tpu.memory_space<semaphore_mem>>) src(%arg10 : memref<64x128xf32, #tpu.memory_space<vmem>>) dst(%arg14 : memref<64x128xf32, #tpu.memory_space<vmem_shared>>)
        tpu.yield
      }) : () -> ()
      "tpu.region"() ({
        %run_scoped3A = tpu.sem_alloc : memref<!tpu.dma_semaphore, #tpu.memory_space<semaphore_mem>>
        tpu.enqueue_dma source(%arg11 : memref<64x128xf32, #tpu.memory_space<vmem>>) target(%arg15 : memref<64x128xf32, #tpu.memory_space<vmem_shared>>) target_semaphore(%run_scoped3A : memref<!tpu.dma_semaphore, #tpu.memory_space<semaphore_mem>>)
        tpu.wait_dma2 semaphore(%run_scoped3A : memref<!tpu.dma_semaphore, #tpu.memory_space<semaphore_mem>>) src(%arg11 : memref<64x128xf32, #tpu.memory_space<vmem>>) dst(%arg15 : memref<64x128xf32, #tpu.memory_space<vmem_shared>>)
        tpu.yield
      }) : () -> ()
    } else {
    }
    %barrier3A = arith.constant 0 : index
    tpu.barrier barrier_id(%barrier3A)
    %ne3A = arith.constant 0 : i32
    %ne3A_86 = arith.cmpi ne, %arg1, %ne3A : i32
    %convert_element_type3A_87 = arith.extui %ne3A_86 : i1 to i32
    %cond3A_88 = arith.constant 0 : i32
    %cond3A_89 = arith.cmpi ne, %convert_element_type3A_87, %cond3A_88 : i32
    scf.if %cond3A_89 {
      "tpu.region"() ({
        %run_scoped3A = tpu.sem_alloc : memref<!tpu.dma_semaphore, #tpu.memory_space<semaphore_mem>>
        %dma_start3A_99 = arith.constant 0 : i32
        %dma_start3A_100 = arith.constant 0 : i32
        %dma_start3A_101 = tpu.memref_slice %arg14[%dma_start3A_99, %dma_start3A_100] : memref<64x128xf32, #tpu.memory_space<vmem_shared>> -> memref<64x128xf32, #tpu.memory_space<vmem_shared>>
        tpu.enqueue_indirect_dma source(%arg10 : memref<64x128xf32, #tpu.memory_space<vmem>>) target(%dma_start3A_101 : memref<64x128xf32, #tpu.memory_space<vmem_shared>>) offsets(%arg12 : memref<64xi32, #tpu.memory_space<vmem>>) semaphore(%run_scoped3A : memref<!tpu.dma_semaphore, #tpu.memory_space<semaphore_mem>>) {add = true}
        %dma_wait3A_102 = arith.constant 0 : i32
        %dma_wait3A_103 = arith.constant 0 : i32
        %dma_wait3A_104 = tpu.memref_slice %arg14[%dma_wait3A_102, %dma_wait3A_103] : memref<64x128xf32, #tpu.memory_space<vmem_shared>> -> memref<64x128xf32, #tpu.memory_space<vmem_shared>>
        tpu.wait_indirect_dma semaphore(%run_scoped3A : memref<!tpu.dma_semaphore, #tpu.memory_space<semaphore_mem>>) src(%arg10 : memref<64x128xf32, #tpu.memory_space<vmem>>) dst(%dma_wait3A_104 : memref<64x128xf32, #tpu.memory_space<vmem_shared>>)
        tpu.yield
      }) : () -> ()
      "tpu.region"() ({
        %run_scoped3A = tpu.sem_alloc : memref<!tpu.dma_semaphore, #tpu.memory_space<semaphore_mem>>
        %dma_start3A_99 = arith.constant 0 : i32
        %dma_start3A_100 = arith.constant 0 : i32
        %dma_start3A_101 = tpu.memref_slice %arg15[%dma_start3A_99, %dma_start3A_100] : memref<64x128xf32, #tpu.memory_space<vmem_shared>> -> memref<64x128xf32, #tpu.memory_space<vmem_shared>>
        tpu.enqueue_indirect_dma source(%arg11 : memref<64x128xf32, #tpu.memory_space<vmem>>) target(%dma_start3A_101 : memref<64x128xf32, #tpu.memory_space<vmem_shared>>) offsets(%arg12 : memref<64xi32, #tpu.memory_space<vmem>>) semaphore(%run_scoped3A : memref<!tpu.dma_semaphore, #tpu.memory_space<semaphore_mem>>) {add = true}
        %dma_wait3A_102 = arith.constant 0 : i32
        %dma_wait3A_103 = arith.constant 0 : i32
        %dma_wait3A_104 = tpu.memref_slice %arg15[%dma_wait3A_102, %dma_wait3A_103] : memref<64x128xf32, #tpu.memory_space<vmem_shared>> -> memref<64x128xf32, #tpu.memory_space<vmem_shared>>
        tpu.wait_indirect_dma semaphore(%run_scoped3A : memref<!tpu.dma_semaphore, #tpu.memory_space<semaphore_mem>>) src(%arg11 : memref<64x128xf32, #tpu.memory_space<vmem>>) dst(%dma_wait3A_104 : memref<64x128xf32, #tpu.memory_space<vmem_shared>>)
        tpu.yield
      }) : () -> ()
    } else {
    }
    %barrier3A_90 = arith.constant 0 : index
    tpu.barrier barrier_id(%barrier3A_90)
    %mul3A_91 = arith.constant 4 : i32
    %mul3A_92 = arith.muli %arg1, %mul3A_91 : i32
    "tpu.region"() ({
      %run_scoped3A = tpu.sem_alloc : memref<!tpu.dma_semaphore, #tpu.memory_space<semaphore_mem>>
      %dma_start3A_99 = arith.constant 0 : i32
      %dma_start3A_100 = tpu.memref_slice %arg14[%mul3A_92, %dma_start3A_99] : memref<64x128xf32, #tpu.memory_space<vmem_shared>> -> memref<4x128xf32, #tpu.memory_space<vmem_shared>>
      %dma_start3A_101 = arith.constant 0 : i32
      %dma_start3A_102 = tpu.memref_slice %arg14[%mul3A_92, %dma_start3A_101] : memref<64x128xf32, #tpu.memory_space<vmem_shared>> -> memref<4x128xf32, #tpu.memory_space<vmem_shared>>
      tpu.enqueue_dma source(%dma_start3A_102 : memref<4x128xf32, #tpu.memory_space<vmem_shared>>) target(%arg13 : memref<4x128xf32, #tpu.memory_space<vmem>>) target_semaphore(%run_scoped3A : memref<!tpu.dma_semaphore, #tpu.memory_space<semaphore_mem>>)
      %dma_wait3A_103 = arith.constant 0 : i32
      %dma_wait3A_104 = tpu.memref_slice %arg14[%mul3A_92, %dma_wait3A_103] : memref<64x128xf32, #tpu.memory_space<vmem_shared>> -> memref<4x128xf32, #tpu.memory_space<vmem_shared>>
      %dma_wait3A_105 = arith.constant 0 : i32
      %dma_wait3A_106 = tpu.memref_slice %arg14[%mul3A_92, %dma_wait3A_105] : memref<64x128xf32, #tpu.memory_space<vmem_shared>> -> memref<4x128xf32, #tpu.memory_space<vmem_shared>>
      tpu.wait_dma2 semaphore(%run_scoped3A : memref<!tpu.dma_semaphore, #tpu.memory_space<semaphore_mem>>) src(%dma_wait3A_106 : memref<4x128xf32, #tpu.memory_space<vmem_shared>>) dst(%arg13 : memref<4x128xf32, #tpu.memory_space<vmem>>)
      tpu.yield
    }) : () -> ()
    %mul3A_93 = arith.constant 4 : i32
    %mul3A_94 = arith.muli %arg1, %mul3A_93 : i32
    "tpu.region"() ({
      %run_scoped3A = tpu.sem_alloc : memref<!tpu.dma_semaphore, #tpu.memory_space<semaphore_mem>>
      %dma_start3A_99 = arith.constant 0 : i32
      %dma_start3A_100 = tpu.memref_slice %arg5[%arg0, %mul3A_94, %dma_start3A_99] : memref<2x64x128xf32, #tpu.memory_space<hbm>> -> memref<1x4x128xf32, #tpu.memory_space<hbm>>
      %dma_start3A_101 = tpu.memref_squeeze %dma_start3A_100 : memref<1x4x128xf32, #tpu.memory_space<hbm>> -> memref<4x128xf32, #tpu.memory_space<hbm>>
      %dma_start3A_102 = arith.constant 0 : i32
      %dma_start3A_103 = tpu.memref_slice %arg5[%arg0, %mul3A_94, %dma_start3A_102] : memref<2x64x128xf32, #tpu.memory_space<hbm>> -> memref<1x4x128xf32, #tpu.memory_space<hbm>>
      %dma_start3A_104 = tpu.memref_squeeze %dma_start3A_103 : memref<1x4x128xf32, #tpu.memory_space<hbm>> -> memref<4x128xf32, #tpu.memory_space<hbm>>
      tpu.enqueue_dma source(%arg13 : memref<4x128xf32, #tpu.memory_space<vmem>>) target(%dma_start3A_104 : memref<4x128xf32, #tpu.memory_space<hbm>>) target_semaphore(%run_scoped3A : memref<!tpu.dma_semaphore, #tpu.memory_space<semaphore_mem>>)
      %dma_wait3A_105 = arith.constant 0 : i32
      %dma_wait3A_106 = tpu.memref_slice %arg5[%arg0, %mul3A_94, %dma_wait3A_105] : memref<2x64x128xf32, #tpu.memory_space<hbm>> -> memref<1x4x128xf32, #tpu.memory_space<hbm>>
      %dma_wait3A_107 = tpu.memref_squeeze %dma_wait3A_106 : memref<1x4x128xf32, #tpu.memory_space<hbm>> -> memref<4x128xf32, #tpu.memory_space<hbm>>
      %dma_wait3A_108 = arith.constant 0 : i32
      %dma_wait3A_109 = tpu.memref_slice %arg5[%arg0, %mul3A_94, %dma_wait3A_108] : memref<2x64x128xf32, #tpu.memory_space<hbm>> -> memref<1x4x128xf32, #tpu.memory_space<hbm>>
      %dma_wait3A_110 = tpu.memref_squeeze %dma_wait3A_109 : memref<1x4x128xf32, #tpu.memory_space<hbm>> -> memref<4x128xf32, #tpu.memory_space<hbm>>
      tpu.wait_dma2 semaphore(%run_scoped3A : memref<!tpu.dma_semaphore, #tpu.memory_space<semaphore_mem>>) src(%arg13 : memref<4x128xf32, #tpu.memory_space<vmem>>) dst(%dma_wait3A_110 : memref<4x128xf32, #tpu.memory_space<hbm>>)
      tpu.yield
    }) : () -> ()
    %mul3A_95 = arith.constant 4 : i32
    %mul3A_96 = arith.muli %arg1, %mul3A_95 : i32
    "tpu.region"() ({
      %run_scoped3A = tpu.sem_alloc : memref<!tpu.dma_semaphore, #tpu.memory_space<semaphore_mem>>
      %dma_start3A_99 = arith.constant 0 : i32
      %dma_start3A_100 = tpu.memref_slice %arg15[%mul3A_96, %dma_start3A_99] : memref<64x128xf32, #tpu.memory_space<vmem_shared>> -> memref<4x128xf32, #tpu.memory_space<vmem_shared>>
      %dma_start3A_101 = arith.constant 0 : i32
      %dma_start3A_102 = tpu.memref_slice %arg15[%mul3A_96, %dma_start3A_101] : memref<64x128xf32, #tpu.memory_space<vmem_shared>> -> memref<4x128xf32, #tpu.memory_space<vmem_shared>>
      tpu.enqueue_dma source(%dma_start3A_102 : memref<4x128xf32, #tpu.memory_space<vmem_shared>>) target(%arg13 : memref<4x128xf32, #tpu.memory_space<vmem>>) target_semaphore(%run_scoped3A : memref<!tpu.dma_semaphore, #tpu.memory_space<semaphore_mem>>)
      %dma_wait3A_103 = arith.constant 0 : i32
      %dma_wait3A_104 = tpu.memref_slice %arg15[%mul3A_96, %dma_wait3A_103] : memref<64x128xf32, #tpu.memory_space<vmem_shared>> -> memref<4x128xf32, #tpu.memory_space<vmem_shared>>
      %dma_wait3A_105 = arith.constant 0 : i32
      %dma_wait3A_106 = tpu.memref_slice %arg15[%mul3A_96, %dma_wait3A_105] : memref<64x128xf32, #tpu.memory_space<vmem_shared>> -> memref<4x128xf32, #tpu.memory_space<vmem_shared>>
      tpu.wait_dma2 semaphore(%run_scoped3A : memref<!tpu.dma_semaphore, #tpu.memory_space<semaphore_mem>>) src(%dma_wait3A_106 : memref<4x128xf32, #tpu.memory_space<vmem_shared>>) dst(%arg13 : memref<4x128xf32, #tpu.memory_space<vmem>>)
      tpu.yield
    }) : () -> ()
    %mul3A_97 = arith.constant 4 : i32
    %mul3A_98 = arith.muli %arg1, %mul3A_97 : i32
    "tpu.region"() ({
      %run_scoped3A = tpu.sem_alloc : memref<!tpu.dma_semaphore, #tpu.memory_space<semaphore_mem>>
      %dma_start3A_99 = arith.constant 0 : i32
      %dma_start3A_100 = tpu.memref_slice %arg6[%arg0, %mul3A_98, %dma_start3A_99] : memref<2x64x128xf32, #tpu.memory_space<hbm>> -> memref<1x4x128xf32, #tpu.memory_space<hbm>>
      %dma_start3A_101 = tpu.memref_squeeze %dma_start3A_100 : memref<1x4x128xf32, #tpu.memory_space<hbm>> -> memref<4x128xf32, #tpu.memory_space<hbm>>
      %dma_start3A_102 = arith.constant 0 : i32
      %dma_start3A_103 = tpu.memref_slice %arg6[%arg0, %mul3A_98, %dma_start3A_102] : memref<2x64x128xf32, #tpu.memory_space<hbm>> -> memref<1x4x128xf32, #tpu.memory_space<hbm>>
      %dma_start3A_104 = tpu.memref_squeeze %dma_start3A_103 : memref<1x4x128xf32, #tpu.memory_space<hbm>> -> memref<4x128xf32, #tpu.memory_space<hbm>>
      tpu.enqueue_dma source(%arg13 : memref<4x128xf32, #tpu.memory_space<vmem>>) target(%dma_start3A_104 : memref<4x128xf32, #tpu.memory_space<hbm>>) target_semaphore(%run_scoped3A : memref<!tpu.dma_semaphore, #tpu.memory_space<semaphore_mem>>)
      %dma_wait3A_105 = arith.constant 0 : i32
      %dma_wait3A_106 = tpu.memref_slice %arg6[%arg0, %mul3A_98, %dma_wait3A_105] : memref<2x64x128xf32, #tpu.memory_space<hbm>> -> memref<1x4x128xf32, #tpu.memory_space<hbm>>
      %dma_wait3A_107 = tpu.memref_squeeze %dma_wait3A_106 : memref<1x4x128xf32, #tpu.memory_space<hbm>> -> memref<4x128xf32, #tpu.memory_space<hbm>>
      %dma_wait3A_108 = arith.constant 0 : i32
      %dma_wait3A_109 = tpu.memref_slice %arg6[%arg0, %mul3A_98, %dma_wait3A_108] : memref<2x64x128xf32, #tpu.memory_space<hbm>> -> memref<1x4x128xf32, #tpu.memory_space<hbm>>
      %dma_wait3A_110 = tpu.memref_squeeze %dma_wait3A_109 : memref<1x4x128xf32, #tpu.memory_space<hbm>> -> memref<4x128xf32, #tpu.memory_space<hbm>>
      tpu.wait_dma2 semaphore(%run_scoped3A : memref<!tpu.dma_semaphore, #tpu.memory_space<semaphore_mem>>) src(%arg13 : memref<4x128xf32, #tpu.memory_space<vmem>>) dst(%dma_wait3A_110 : memref<4x128xf32, #tpu.memory_space<hbm>>)
      tpu.yield
    }) : () -> ()
    return
  }
}

module attributes {stable_mosaic.version = 14 : i64} {
  func.func @_combine_body(%arg0: memref<2x64x128xf32, #tpu.memory_space<vmem>>, %arg1: memref<2x64x128xf32, #tpu.memory_space<vmem>>, %arg2: memref<64x128xf32, #tpu.memory_space<vmem>>) attributes {dimension_semantics = [], scalar_prefetch = 0 : i64, scratch_operands = 0 : i64, tpu.core_type = #tpu.core_type<tc>} {
    %get3A = arith.constant 0 : index
    %get3A_0 = arith.constant 0 : index
    %get3A_1 = arith.constant 0 : index
    %get3A_2 = vector.load %arg0[%get3A, %get3A_0, %get3A_1] : memref<2x64x128xf32, #tpu.memory_space<vmem>>, vector<1x64x128xf32>
    %get3A_3 = vector.shape_cast %get3A_2 : vector<1x64x128xf32> to vector<64x128xf32>
    %get3A_4 = arith.constant 1 : index
    %get3A_5 = arith.constant 0 : index
    %get3A_6 = arith.constant 0 : index
    %get3A_7 = vector.load %arg0[%get3A_4, %get3A_5, %get3A_6] : memref<2x64x128xf32, #tpu.memory_space<vmem>>, vector<1x64x128xf32>
    %get3A_8 = vector.shape_cast %get3A_7 : vector<1x64x128xf32> to vector<64x128xf32>
    %add3A = arith.addf %get3A_3, %get3A_8 : vector<64x128xf32>
    %get3A_9 = arith.constant 0 : index
    %get3A_10 = arith.constant 0 : index
    %get3A_11 = arith.constant 0 : index
    %get3A_12 = vector.load %arg1[%get3A_9, %get3A_10, %get3A_11] : memref<2x64x128xf32, #tpu.memory_space<vmem>>, vector<1x64x128xf32>
    %get3A_13 = vector.shape_cast %get3A_12 : vector<1x64x128xf32> to vector<64x128xf32>
    %get3A_14 = arith.constant 1 : index
    %get3A_15 = arith.constant 0 : index
    %get3A_16 = arith.constant 0 : index
    %get3A_17 = vector.load %arg1[%get3A_14, %get3A_15, %get3A_16] : memref<2x64x128xf32, #tpu.memory_space<vmem>>, vector<1x64x128xf32>
    %get3A_18 = vector.shape_cast %get3A_17 : vector<1x64x128xf32> to vector<64x128xf32>
    %add3A_19 = arith.addf %get3A_13, %get3A_18 : vector<64x128xf32>
    %max3A = arith.constant 1.000000e+00 : f32
    %max3A_20 = vector.broadcast %max3A : f32 to vector<64x128xf32>
    %max3A_21 = arith.maximumf %add3A_19, %max3A_20 : vector<64x128xf32>
    %div3A = arith.divf %add3A, %max3A_21 : vector<64x128xf32>
    %swap3A = arith.constant 0 : index
    %swap3A_22 = arith.constant 0 : index
    %swap3A_23 = vector.load %arg2[%swap3A, %swap3A_22] : memref<64x128xf32, #tpu.memory_space<vmem>>, vector<64x128xf32>
    tpu.vector_store %arg2[%swap3A, %swap3A_22], %div3A {strides = array<i32>} : memref<64x128xf32, #tpu.memory_space<vmem>>, vector<64x128xf32>,
    return
  }
}

</mosaic_0001>

<sc_bundles>
// kernel: kernel.4.cloned.1.call-start
scs
__scs_entry_jumppad:
0x0: {  	(pc) =	sbr.rel $0x88, $3  }
0x1: {  	(tag) =	ssettag $0x0;
	lr =	simm.s32 $0x1  }
0x2: {  	[smem:$0x3F9E] =	sst lr;
	_ =	strace $0xD0000000  }
0x3: {  	_ = 	snop  }
0x4: {  	_ = 	snop  }
0x5: {  	_ = 	snop  }
0x6: {  	_ = 	snop  }
0x7: {  	_ = 	snop  }
__scs_overlays_trampoline_lowered:
0x8: {  	[smem:$0x3FAD] =	sst s0  }
0x9: {  	[smem:$0x3FAE] =	sst s1  }
0xa: {  	[smem:$0x3FAF] =	sst s2  }
0xb: {  	[smem:$0x3FB0] =	sst s3  }
0xc: {  	[smem:$0x3FB1] =	sst s4  }
0xd: {  	[smem:$0x3FB2] =	sst s5  }
0xe: {  	[smem:$0x3FB3] =	sst s6  }
0xf: {  	[smem:$0x3FB4] =	sst s7  }
0x10: {  	[smem:$0x3FB5] =	sst s8  }
0x11: {  	[smem:$0x3FB6] =	sst s9;
	s0 =	simm.s32 @!p0 $0x0  }
0x12: {  	s1 =	sld [smem:$0x3F9C];
	s0 =	simm.s32 @p0 $0x1  }
0x13: {  	[smem:$0x3FB7] =	sst s0;
	s0 =	simm.s32 @!p1 $0x0  }
0x14: {  	s2 =	sld [smem:$0x3F9B];
	s0 =	simm.s32 @p1 $0x1  }
0x15: {  	[smem:$0x3FB8] =	sst s0;
	s0 =	simm.s32 @!p2 $0x0  }
0x16: {  	s3 =	sld [smem:$0x3FDB];
	s0 =	simm.s32 @p2 $0x1  }
0x17: {  	s4 =	simm.s32 $0x1BF5;
	[smem:$0x3FBA] =	sst s0  }
0x18: {  	s0 =	sld [smem:$0x3F9D];
	_ =	swait.ge [sflag:s4], $0x0  }
0x19: {  	s7 =	sld [smem:$0x3F9E]  }
0x1a: {  	s8 =	sadd.s32 $0xFFFFE003, lr  }
0x1b: {  	s9 =	sadd.s32 $0xFFFFFEF7, lr;
	s5 =	simm.s32 $0xFFFFFFFF;
	p2 =	slt.u32 s8, $0xFFFFF086  }
0x1c: {  	p1 =	slt.u32 s9, $0xF7A;
	s5 =	simm.s32 @!p2 $0x0  }
0x1d: {  	s5 =	simm.s32 @p1 $0x1;
	p0 =	seq.s32 s7, s2  }
0x1e: {  	s7 =	smul.u32 @!p0 $0xF7A, s2;
	p2 =	seq.s32 @!p0 s5, $0x0  }
0x1f: {  	s9 =	smul.u32 $0xF7A, s1;
	s8 =	simm.s32 @!p0 $0x1BF5;
	p2 =	por !p2, p0  }
0x20: {  	[sflag:s8] =	ssyncset.s32 @!p0 $0xFFFFF086;
	s6 =	sadd.s32 @!p0 s3, s7;
	s7 =	simm.s32 @!p0 $0x108  }
0x21: {  	s3 =	sadd.s32 s3, s9;
	s6 =	sadd.s32 @!p0 $0x88, s6;
	s7 =	simm.s32 @p2 $0x1082  }
0x22: {  	[simem:s7], [sflag:s8] =	dma.local @!p0 [hbm:s6], $0xF7A  }
0x23: {  	s9 =	sor.u32 $0xD0000000, s2;
	s6 =	simm.s32 $0x108;
	_ =	swait.ge @!p0 [sflag:s8], $0x0  }
0x24: {  	s3 =	sadd.s32 $0x88, s3;
	s6 =	simm.s32 @!p1 $0x1082;
	[sflag:s4] =	ssyncset.s32 $0xFFFFF086  }
0x25: {  	[simem:s6], [sflag:s4] =	dma.local [hbm:s3], $0xF7A  }
0x26: {  	[smem:$0x3F9E] =	sst s1;
	(tag) =	ssettag s2;
	_ =	strace s9  }
0x27: {  	s1 =	sld [smem:$0x3FAE]  }
0x28: {  	s2 =	sld [smem:$0x3FAF]  }
0x29: {  	s4 =	sld [smem:$0x3FB1]  }
0x2a: {  	p0 =	seq.s32 s5, $0x0;
	s5 =	sld [smem:$0x3FB2]  }
0x2b: {  	s6 =	sld [smem:$0x3FB3]  }
0x2c: {  	s7 =	sld [smem:$0x3FB4]  }
0x2d: {  	s3 =	simm.s32 $0x108;
	s8 =	sld [smem:$0x3FB5]  }
0x2e: {  	s3 =	simm.s32 @!p0 $0x1082;
	s9 =	sld [smem:$0x3FB6]  }
0x2f: {  	lr =	sadd.s32 s0, s3;
	s0 =	sld [smem:$0x3FAD]  }
0x30: {  	s3 =	sld [smem:$0x3FB0]  }
0x31: {  	[smem:$0x3FB9] =	sst s10  }
0x32: {  	s10 =	sld [smem:$0x3FB7];
	_ =	sdelay $0x3  }
0x33: {  	p0 =	seq.s32 s10, $0x1;
	s10 =	sld [smem:$0x3FB9];
	_ =	sdelay $0x3  }
0x34: {  	[smem:$0x3FB9] =	sst s10  }
0x35: {  	s10 =	sld [smem:$0x3FB8];
	_ =	sdelay $0x3  }
0x36: {  	p1 =	seq.s32 s10, $0x1;
	s10 =	sld [smem:$0x3FB9];
	_ =	sdelay $0x3  }
0x37: {  	[smem:$0x3FB9] =	sst s10  }
0x38: {  	s10 =	sld [smem:$0x3FBA]  }
0x39: {  	_ = 	snop;
	(pc) =	sbr.ind lr, $3  }
0x3a: {  	_ = 	snop  }
0x3b: {  	_ = 	snop  }
0x3c: {  	p2 =	seq.s32 s10, $0x1;
	s10 =	sld [smem:$0x3FB9]  }
0x3d: {  	_ =	shalt  }
0x3e: {  	_ =	shalt  }
0x3f: {  	_ =	shalt  }
0x40: {  	_ =	shalt  }
0x41: {  	_ =	shalt  }
0x42: {  	_ =	shalt  }
0x43: {  	_ =	shalt  }
0x44: {  	_ =	shalt  }
0x45: {  	_ =	shalt  }
0x46: {  	_ =	shalt  }
0x47: {  	_ =	shalt  }
0x48: {  	_ =	shalt  }
0x49: {  	_ =	shalt  }
0x4a: {  	_ =	shalt  }
0x4b: {  	_ =	shalt  }
0x4c: {  	_ =	shalt  }
0x4d: {  	_ =	shalt  }
0x4e: {  	_ =	shalt  }
0x4f: {  	_ =	shalt  }
0x50: {  	_ =	shalt  }
0x51: {  	_ =	shalt  }
0x52: {  	_ =	shalt  }
0x53: {  	_ =	shalt  }
0x54: {  	_ =	shalt  }
0x55: {  	_ =	shalt  }
0x56: {  	_ =	shalt  }
0x57: {  	_ =	shalt  }
0x58: {  	_ =	shalt  }
0x59: {  	_ =	shalt  }
0x5a: {  	_ =	shalt  }
0x5b: {  	_ =	shalt  }
0x5c: {  	_ =	shalt  }
0x5d: {  	_ =	shalt  }
0x5e: {  	_ =	shalt  }
0x5f: {  	_ =	shalt  }
0x60: {  	_ =	shalt  }
0x61: {  	_ =	shalt  }
0x62: {  	_ =	shalt  }
0x63: {  	_ =	shalt  }
0x64: {  	_ =	shalt  }
0x65: {  	_ =	shalt  }
0x66: {  	_ =	shalt  }
0x67: {  	_ =	shalt  }
0x68: {  	_ =	shalt  }
0x69: {  	_ =	shalt  }
0x6a: {  	_ =	shalt  }
0x6b: {  	_ =	shalt  }
0x6c: {  	_ =	shalt  }
0x6d: {  	_ =	shalt  }
0x6e: {  	_ =	shalt  }
0x6f: {  	_ =	shalt  }
0x70: {  	_ =	shalt  }
0x71: {  	_ =	shalt  }
0x72: {  	_ =	shalt  }
0x73: {  	_ =	shalt  }
0x74: {  	_ =	shalt  }
0x75: {  	_ =	shalt  }
0x76: {  	_ =	shalt  }
0x77: {  	_ =	shalt  }
0x78: {  	_ =	shalt  }
0x79: {  	_ =	shalt  }
0x7a: {  	_ =	shalt  }
0x7b: {  	_ =	shalt  }
0x7c: {  	_ =	shalt  }
0x7d: {  	_ =	shalt  }
0x7e: {  	_ =	shalt  }
0x7f: {  	_ =	shalt  }
0x80: {  	_ =	shalt  }
0x81: {  	_ =	shalt  }
0x82: {  	_ =	shalt  }
0x83: {  	_ =	shalt  }
0x84: {  	_ =	shalt  }
0x85: {  	_ =	shalt  }
0x86: {  	_ =	shalt  }
0x87: {  	_ =	shalt  }
.Lfunc_end0:
.L_simem_size_0:
called_computation_lowered:
.L_overlay_start_0:
0x88: {  	s2 =	sld [smem:$0x3FD9]  }
0x89: {  	s3 =	sld [smem:$0x3FFE];
	_ =	sdelay $0x1  }
0x8a: {  	s1 =	srdreg.scid  }
0x8b: {  	s0 =	sand.u32 $0x1, s1  }
0x8c: {  	s17 =	sshll.u32 s0, $0xA;
	s2 =	sadd.s32 s3, s2  }
0x8d: {  	s2 =	sadd.s32 s2, s17  }
0x8e: {  	[smem:$0x3FC5] =	sst s2  }
0x8f: {  	_ = 	snop  }
0x90: {  	s2 =	sld [smem:$0x3FC8]  }
0x91: {  	s18 =	sld [smem:$0x3FC7]  }
0x92: {  	s4 =	sld [smem:$0x3FD0];
	(tm) =	ssettm $0x1  }
0x93: {  	s5 =	sld [smem:$0x3FFB];
	_ =	sdelay $0x3  }
0x94: {  	_ =	strace s5  }
0x95: {  	s5 =	sld [smem:$0x3FFC];
	_ =	sdelay $0x3  }
0x96: {  	_ =	strace s5  }
0x97: {  	s5 =	sld [smem:$0x3FFD];
	_ =	sdelay $0x3  }
0x98: {  	_ =	strace s5  }
0x99: {  	_ =	strace $0x8FFFFFFF  }
0x9a: {  	s19 =	sld [smem:$0x3FDB];
	_ =	sdelay $0x1  }
0x9b: {  	s6 =	simm.s32 $_scs_section_size  }
0x9c: {  	s7 =	simm.s32 $_size__tile_overlayer_lowered;
	s8 =	simm.s32 $_tile_overlayer_lowered  }
0x9d: {  	s22 =	simm.s32 $0x1BFF;
	s21 =	sshll.u32 s8, $0x1;
	s5 =	sadd.s32 s6, s19  }
0x9e: {  	s9 =	simm.s32 $0x0;
	s20 =	sshll.u32 s7, $0x1;
	s7 =	sadd.s32 s21, s5  }
0x9f: {  	[timem:s9], [sflag:s22] =	dma.local [hbm:s7], s20  }
0xa0: {  	_ =	swait.ge [sflag:s22], s20  }
0xa1: {  	s6 =	ssub.s32 $0x0, s20;
	[sflag:s22] =	ssyncset.done $0x0  }
0xa2: {  	[sflag:s22] =	ssyncadd.s32 s6;
	_ =	sdelay $0x1  }
0xa3: {  	s23 =	simm.s32 $0x1B8B  }
0xa4: {  	_ =	swait.ge [sflag:s23], $0x1  }
0xa5: {  	[sflag:s23] =	ssyncset.done $0x0  }
0xa6: {  	s25 =	simm.s32 $0x1B8E;
	s24 =	sld [smem:$0x3FFE];
	[sflag:s23] =	ssyncadd.s32 $0xFFFFFFFF  }
0xa7: {  	s26 =	simm.s32 $execute0_lowered;
	[smem:$0x3FD2] =	sst s25  }
0xa8: {  	s7 =	sshll.u32 s26, $0x1;
	_ =	strace $0x80000046;
	[dreg:$0x1] =	wrdreg $0xFFFFFFFF  }
0xa9: {  	s28 =	simm.s32 $_size_execute0_lowered;
	s5 =	sadd.s32 s5, s7;
	[dreg:$0x0] =	wrdreg $0x0  }
0xaa: {  	s7 =	sshll.u32 s28, $0x1;
	[dreg:$0x2] =	wrdreg s5  }
0xab: {  	[dreg:$0x3] =	wrdreg s7  }
0xac: {  	[dreg:$0x4] =	wrdreg $0xC0  }
0xad: {  	_ =	task [dreg:s9], $0x5FFFF  }
0xae: {  	[dreg:$0x1] =	wrdreg $0xFFFFFFFF  }
0xaf: {  	[dreg:$0x0] =	wrdreg $0x60  }
0xb0: {  	[dreg:$0x2] =	wrdreg s4  }
0xb1: {  	[dreg:$0x3] =	wrdreg s2  }
0xb2: {  	[dreg:$0x4] =	wrdreg s18  }
0xb3: {  	[dreg:$0x5] =	wrdreg s24  }
0xb4: {  	[dreg:$0x6] =	wrdreg $0x143000  }
0xb5: {  	[dreg:$0x7] =	wrdreg $0x145000  }
0xb6: {  	[dreg:$0x8] =	wrdreg $0x9  }
0xb7: {  	_ =	task.clear_ibuf [dreg:s9], $0x9FFFF;
	_ =	strace $0x90000046  }
0xb8: {  	s29 =	simm.s32 $0x9;
	_ =	strace $0x80000048  }
0xb9: {  	_ =	swait.ge [sflag:s29], $0x1  }
0xba: {  	[sflag:s29] =	ssyncadd.s32 $0xFFFFFFFF  }
0xbb: {  	_ =	strace $0x90000048  }
0xbc: {  	_ =	sfence  }
0xbd: {  	s30 =	sld [smem:$0x0];
	_ =	sdelay $0x2  }
0xbe: {  	s31 =	sshll.u32 s1, $0xD;
	s1 =	sshrl.u32 s1, $0x2  }
0xbf: {  	s3 =	sand.u32 $0x4000, s31;
	s1 =	sadd.s32 s1, s30  }
0xc0: {  	s0 =	sor.u32 s3, s0;
	s1 =	sshll.u32 s1, $0x11  }
0xc1: {  	s0 =	sor.u32 s1, s0  }
0xc2: {  	s0 =	sadd.s32 $0x8F2B, s0  }
0xc3: {  	[sflag:s0] =	ssyncadd.remote.s32 $0x1  }
0xc4: {  	_ =	sfence.sel $0xFFFF  }
0xc5: {  	[dreg:$0x0] =	wrdreg $0xFFFFFFFF;
	(pc) =	sbr.abs _section_cstart, $3  }
0xc6: {  	[dreg:$0x1] =	wrdreg $0xFFFFFFFF  }
0xc7: {  	_ =	task.clear_ibuf [dreg:s9], $0x2FFFF;
	_ =	strace $0x9FFFFFFF  }
0xc8: {  	(tm) =	ssettm $0x7FFFFFFF  }
0xc9: {  	_ =	shalt  }
tec
execute0_lowered:
.L_overlay_start_1:
0x0: {  	(tag) =	ssettag $0x1  }
0x1: {  	s0 =	rddreg [dreg:$0x0]  }
0x2: {  	s7 =	rddreg [dreg:$0x1]  }
0x3: {  	s8 =	rddreg [dreg:$0x2]  }
0x4: {  	s5 =	rddreg [dreg:$0x3]  }
0x5: {  	s2 =	rddreg [dreg:$0x4]  }
0x6: {  	s3 =	rddreg [dreg:$0x5]  }
0x7: {  	s4 =	srdreg.scid;
	s1 =	rddreg [dreg:$0x6]  }
0x8: {  	s23 =	stileid.u32;
	s15 =	simm.s32 $0x8000;
	s16 =	simm.s32 $0x4000  }
0x9: {  	s17 =	simm.s32 $0xC000;
	s18 =	simm.s32 $0x3;
	s19 =	simm.s32 $0x1  }
0xa: {  	s20 =	simm.s32 $0x10080;
	s21 =	simm.s32 $0x12080;
	s22 =	simm.s32 $0x2  }
0xb: {  	v0 =	vimm.s32 $0xFFEDCBA9;
	s24 =	simm.s32 $0x4;
	s25 =	simm.s32 $0x0;
	s6 =	sand.u32 $0x1, s4  }
0xc: {  	v1 =	vimm.s32 $0x87654321;
	s4 =	simm.s32 $0x0;
	s11 =	sshll.u32 s23, $0x9;
	s12 =	sshll.u32 s23, $0xD;
	v2 =	vunpack.c.l.s4.s8 v0  }
0xd: {  	v5 =	vimm.s32 $0x65432100;
	v1 =	vunpack.c.l.s4.s8 v1;
	p0 =	sne.s32 s23, $0x0;
	s23 =	simm.s32 $0x14100;
	s9 =	sshll.u32 s6, $0xD  }
0xe: {  	vm14 =	vcmask $0x3F3C;
	[smem:$0x7FF] =	sst s4;
	s10 =	ssub.s32 $0x2, s6;
	s6 =	sshll.u32 s6, $0xC;
	v3 =	vunpack.c.0.s8.s32 v2;
	v2 =	vimm.s32 $0xEDCBA987  }
0xf: {  	v8 =	vunpack.c.l.s4.s8 v5;
	s9 =	sor.u32 s11, s9;
	_ =	strace $0x80000047;
	s30 =	sshrl.u32 s10, $0x1;
	v4 =	vunpack.c.0.s8.s32 v1;
	v6 =	vunpack.c.l.s4.s8 v2  }
0x10: {  	vm0 =	vcmask $0x3B00;
	v0 =	vimm.f32 $0.0e+00;
	s6 =	sor.u32 s6, s12;
	v1 =	vlaneseq.u32;
	s9 =	sshrl.u32 s9, $0x3;
	s14 =	ssub.s32 s10, s30  }
0x11: {  	v8 =	vunpack.c.0.s8.s32 v8;
	s31 =	sor.u32 $0x800, s6;
	s13 =	sadd.s32 s9, s5;
	s5 =	sadd.s32 s7, s6;
	v7 =	vcombine.low v4, v3;
	v6 =	vunpack.c.0.s8.s32 v6  }
0x12: {  	v2 =	vor.u32 $0x10, v1;
	s6 =	sadd.s32 s8, s6;
	s7 =	sadd.s32 s7, s31;
	s8 =	sadd.s32 s8, s31;
	v3 =	vor.u32 $0x20, v1;
	v4 =	vor.u32 $0x30, v1  }
0x13: {  	s9 =	sadd.s32 s11, s2;
	s11 =	sadd.s32 s11, s3;
	s10 =	sadd.s32 $0xC00, s13;
	v5 =	vand.u32 $0xF, v7;
	v7 =	vimm.s32 $0x8000000F;
	v9 =	vand.u32 $0xF, v6  }
0x14: {  	s12 =	sadd.s32 $0x1400, s13;
	s13 =	smax.u32 s14, $0x1;
	s14 =	simm.s32 $0x10000;
	v6 =	vsel vm0, $0x7FFFFFFF, v7;
	v7 =	vor.u32 $0x80000000, v1;
	v8 =	vcombine.low v8, v9  }
.LBB2_1:
0x15: {  	[tilespmem:s14], [sflag:$0x3] =	stream.linear.gather [hbm4b:s0+s4], $0x80, $0x38;
	[tilespmem:$0x14700] =	vst v63  }
0x16: {  	_ = 	snop  }
0x17: {  	[tilespmem:s4], [sflag:$0x1] =	stream.linear.gather [hbm4b:s5+s4], $0x4000, $0x38;
	[tilespmem:$0x14700] =	vst v63  }
0x18: {  	_ = 	snop  }
0x19: {  	[tilespmem:s15], [sflag:$0x1] =	stream.linear.gather [hbm4b:s6+s4], $0x4000, $0x38;
	[tilespmem:$0x14700] =	vst v63  }
0x1a: {  	_ = 	snop  }
0x1b: {  	[tilespmem:s16], [sflag:$0x2] =	stream.linear.gather [hbm4b:s7+s4], $0x4000, $0x38;
	[tilespmem:$0x14700] =	vst v63  }
0x1c: {  	s26 =	simm.s32 $0xFFFFFFF8;
	s28 =	simm.s32 $0x10280;
	s29 =	simm.s32 $0x12280  }
0x1d: {  	[tilespmem:s17], [sflag:$0x2] =	stream.linear.gather [hbm4b:s8+s4], $0x4000, $0x38;
	[tilespmem:$0x14700] =	vst v63  }
.LBB2_2:
0x1e: {  	[tilespmem:s28+$0xFFFFFE00] =	vst v0  }
0x1f: {  	[tilespmem:s28+$0xFFFFFE80] =	vst v0  }
0x20: {  	[tilespmem:s28+$0xFFFFFF00] =	vst v0  }
0x21: {  	[tilespmem:s28+$0xFFFFFF80] =	vst v0  }
0x22: {  	[tilespmem:s28+$0x0] =	vst v0  }
0x23: {  	[tilespmem:s28+$0x80] =	vst v0  }
0x24: {  	[tilespmem:s28+$0x100] =	vst v0  }
0x25: {  	[tilespmem:s28+$0x180] =	vst v0  }
0x26: {  	[tilespmem:s29+$0xFFFFFE00] =	vst v0  }
0x27: {  	[tilespmem:s29+$0xFFFFFE80] =	vst v0  }
0x28: {  	[tilespmem:s29+$0xFFFFFF00] =	vst v0  }
0x29: {  	[tilespmem:s29+$0xFFFFFF80] =	vst v0  }
0x2a: {  	[tilespmem:s29+$0x0] =	vst v0  }
0x2b: {  	[tilespmem:s29+$0x80] =	vst v0  }
0x2c: {  	[tilespmem:s29+$0x100] =	vst v0  }
0x2d: {  	[tilespmem:s29+$0x180] =	vst v0  }
0x2e: {  	[tilespmem:s28+$0xFFFFFE10] =	vst v0  }
0x2f: {  	[tilespmem:s28+$0xFFFFFE90] =	vst v0  }
0x30: {  	[tilespmem:s28+$0xFFFFFF10] =	vst v0  }
0x31: {  	[tilespmem:s28+$0xFFFFFF90] =	vst v0  }
0x32: {  	[tilespmem:s28+$0x10] =	vst v0  }
0x33: {  	[tilespmem:s28+$0x90] =	vst v0  }
0x34: {  	[tilespmem:s28+$0x110] =	vst v0  }
0x35: {  	[tilespmem:s28+$0x190] =	vst v0  }
0x36: {  	[tilespmem:s29+$0xFFFFFE10] =	vst v0  }
0x37: {  	[tilespmem:s29+$0xFFFFFE90] =	vst v0  }
0x38: {  	[tilespmem:s29+$0xFFFFFF10] =	vst v0  }
0x39: {  	[tilespmem:s29+$0xFFFFFF90] =	vst v0  }
0x3a: {  	[tilespmem:s29+$0x10] =	vst v0  }
0x3b: {  	[tilespmem:s29+$0x90] =	vst v0  }
0x3c: {  	[tilespmem:s29+$0x110] =	vst v0  }
0x3d: {  	[tilespmem:s29+$0x190] =	vst v0  }
0x3e: {  	[tilespmem:s28+$0xFFFFFE20] =	vst v0  }
0x3f: {  	[tilespmem:s28+$0xFFFFFEA0] =	vst v0  }
0x40: {  	[tilespmem:s28+$0xFFFFFF20] =	vst v0  }
0x41: {  	[tilespmem:s28+$0xFFFFFFA0] =	vst v0  }
0x42: {  	[tilespmem:s28+$0x20] =	vst v0  }
0x43: {  	[tilespmem:s28+$0xA0] =	vst v0  }
0x44: {  	[tilespmem:s28+$0x120] =	vst v0  }
0x45: {  	[tilespmem:s28+$0x1A0] =	vst v0  }
0x46: {  	[tilespmem:s29+$0xFFFFFE20] =	vst v0  }
0x47: {  	[tilespmem:s29+$0xFFFFFEA0] =	vst v0  }
0x48: {  	[tilespmem:s29+$0xFFFFFF20] =	vst v0  }
0x49: {  	[tilespmem:s29+$0xFFFFFFA0] =	vst v0  }
0x4a: {  	[tilespmem:s29+$0x20] =	vst v0  }
0x4b: {  	[tilespmem:s29+$0xA0] =	vst v0  }
0x4c: {  	[tilespmem:s29+$0x120] =	vst v0  }
0x4d: {  	[tilespmem:s29+$0x1A0] =	vst v0  }
0x4e: {  	[tilespmem:s28+$0xFFFFFE30] =	vst v0  }
0x4f: {  	[tilespmem:s28+$0xFFFFFEB0] =	vst v0  }
0x50: {  	[tilespmem:s28+$0xFFFFFF30] =	vst v0  }
0x51: {  	[tilespmem:s28+$0xFFFFFFB0] =	vst v0  }
0x52: {  	[tilespmem:s28+$0x30] =	vst v0  }
0x53: {  	[tilespmem:s28+$0xB0] =	vst v0  }
0x54: {  	[tilespmem:s28+$0x130] =	vst v0  }
0x55: {  	[tilespmem:s28+$0x1B0] =	vst v0  }
0x56: {  	[tilespmem:s29+$0xFFFFFE30] =	vst v0  }
0x57: {  	[tilespmem:s29+$0xFFFFFEB0] =	vst v0  }
0x58: {  	[tilespmem:s29+$0xFFFFFF30] =	vst v0  }
0x59: {  	[tilespmem:s29+$0xFFFFFFB0] =	vst v0  }
0x5a: {  	[tilespmem:s29+$0x30] =	vst v0  }
0x5b: {  	[tilespmem:s29+$0xB0] =	vst v0  }
0x5c: {  	[tilespmem:s29+$0x130] =	vst v0  }
0x5d: {  	[tilespmem:s29+$0x1B0] =	vst v0  }
0x5e: {  	[tilespmem:s28+$0xFFFFFE40] =	vst v0  }
0x5f: {  	[tilespmem:s28+$0xFFFFFEC0] =	vst v0  }
0x60: {  	[tilespmem:s28+$0xFFFFFF40] =	vst v0  }
0x61: {  	[tilespmem:s28+$0xFFFFFFC0] =	vst v0  }
0x62: {  	[tilespmem:s28+$0x40] =	vst v0  }
0x63: {  	[tilespmem:s28+$0xC0] =	vst v0  }
0x64: {  	[tilespmem:s28+$0x140] =	vst v0  }
0x65: {  	[tilespmem:s28+$0x1C0] =	vst v0  }
0x66: {  	[tilespmem:s29+$0xFFFFFE40] =	vst v0  }
0x67: {  	[tilespmem:s29+$0xFFFFFEC0] =	vst v0  }
0x68: {  	[tilespmem:s29+$0xFFFFFF40] =	vst v0  }
0x69: {  	[tilespmem:s29+$0xFFFFFFC0] =	vst v0  }
0x6a: {  	[tilespmem:s29+$0x40] =	vst v0  }
0x6b: {  	[tilespmem:s29+$0xC0] =	vst v0  }
0x6c: {  	[tilespmem:s29+$0x140] =	vst v0  }
0x6d: {  	[tilespmem:s29+$0x1C0] =	vst v0  }
0x6e: {  	[tilespmem:s28+$0xFFFFFE50] =	vst v0  }
0x6f: {  	[tilespmem:s28+$0xFFFFFED0] =	vst v0  }
0x70: {  	[tilespmem:s28+$0xFFFFFF50] =	vst v0  }
0x71: {  	[tilespmem:s28+$0xFFFFFFD0] =	vst v0  }
0x72: {  	[tilespmem:s28+$0x50] =	vst v0  }
0x73: {  	[tilespmem:s28+$0xD0] =	vst v0  }
0x74: {  	[tilespmem:s28+$0x150] =	vst v0  }
0x75: {  	[tilespmem:s28+$0x1D0] =	vst v0  }
0x76: {  	[tilespmem:s29+$0xFFFFFE50] =	vst v0  }
0x77: {  	[tilespmem:s29+$0xFFFFFED0] =	vst v0  }
0x78: {  	[tilespmem:s29+$0xFFFFFF50] =	vst v0  }
0x79: {  	[tilespmem:s29+$0xFFFFFFD0] =	vst v0  }
0x7a: {  	[tilespmem:s29+$0x50] =	vst v0  }
0x7b: {  	[tilespmem:s29+$0xD0] =	vst v0  }
0x7c: {  	[tilespmem:s29+$0x150] =	vst v0  }
0x7d: {  	[tilespmem:s29+$0x1D0] =	vst v0  }
0x7e: {  	[tilespmem:s28+$0xFFFFFE60] =	vst v0  }
0x7f: {  	[tilespmem:s28+$0xFFFFFEE0] =	vst v0  }
0x80: {  	[tilespmem:s28+$0xFFFFFF60] =	vst v0  }
0x81: {  	[tilespmem:s28+$0xFFFFFFE0] =	vst v0  }
0x82: {  	[tilespmem:s28+$0x60] =	vst v0  }
0x83: {  	[tilespmem:s28+$0xE0] =	vst v0  }
0x84: {  	[tilespmem:s28+$0x160] =	vst v0  }
0x85: {  	[tilespmem:s28+$0x1E0] =	vst v0  }
0x86: {  	[tilespmem:s29+$0xFFFFFE60] =	vst v0  }
0x87: {  	[tilespmem:s29+$0xFFFFFEE0] =	vst v0  }
0x88: {  	[tilespmem:s29+$0xFFFFFF60] =	vst v0  }
0x89: {  	[tilespmem:s29+$0xFFFFFFE0] =	vst v0  }
0x8a: {  	[tilespmem:s29+$0x60] =	vst v0  }
0x8b: {  	[tilespmem:s29+$0xE0] =	vst v0  }
0x8c: {  	[tilespmem:s29+$0x160] =	vst v0  }
0x8d: {  	[tilespmem:s29+$0x1E0] =	vst v0  }
0x8e: {  	[tilespmem:s28+$0xFFFFFE70] =	vst v0  }
0x8f: {  	[tilespmem:s28+$0xFFFFFEF0] =	vst v0  }
0x90: {  	[tilespmem:s28+$0xFFFFFF70] =	vst v0  }
0x91: {  	[tilespmem:s28+$0xFFFFFFF0] =	vst v0  }
0x92: {  	[tilespmem:s28+$0x70] =	vst v0  }
0x93: {  	[tilespmem:s28+$0xF0] =	vst v0  }
0x94: {  	[tilespmem:s28+$0x170] =	vst v0  }
0x95: {  	[tilespmem:s28+$0x1F0] =	vst v0  }
0x96: {  	[tilespmem:s29+$0xFFFFFE70] =	vst v0  }
0x97: {  	s26 =	sadd.s32 $0x8, s26;
	[tilespmem:s29+$0xFFFFFEF0] =	vst v0  }
0x98: {  	p1 =	slt.u32 s26, $0x38;
	[tilespmem:s29+$0xFFFFFF70] =	vst v0  }
.Ltmp0:
0x99: {  	[tilespmem:s29+$0xFFFFFFF0] =	vst v0;
	(pc) =	sbr.rel @p1 .LBB2_2-.Ltmp0, $4  }
0x9a: {  	[tilespmem:s29+$0x70] =	vst v0  }
0x9b: {  	[tilespmem:s29+$0xF0] =	vst v0  }
0x9c: {  	[tilespmem:s29+$0x170] =	vst v0  }
0x9d: {  	s28 =	sadd.s32 $0x400, s28;
	[tilespmem:s29+$0x1F0] =	vst v0;
	s29 =	sadd.s32 $0x400, s29  }
0x9e: {  	[tilespmem:$0x14080] =	vst v1  }
0x9f: {  	[tilespmem:$0x14090] =	vst v2  }
0xa0: {  	[tilespmem:$0x140A0] =	vst v3  }
0xa1: {  	[tilespmem:$0x140B0] =	vst v4  }
0xa2: {  	_ =	swait.ge [sflag:s18], $0x80  }
0xa3: {  	[sflag:s18] =	ssyncset.done $0x0  }
0xa4: {  	[sflag:s18] =	ssyncadd.s32 $0xFFFFFF80  }
0xa5: {  	_ =	swait.ge [sflag:s19], $0x4000  }
0xa6: {  	[sflag:s19] =	ssyncset.done $0x0  }
0xa7: {  	[sflag:s19] =	ssyncadd.s32 $0xFFFFC000  }
0xa8: {  	_ =	swait.ge [sflag:s19], $0x4000  }
0xa9: {  	[sflag:s19] =	ssyncset.done $0x0  }
0xaa: {  	s28 =	simm.s32 $0x8040;
	[sflag:s19] =	ssyncadd.s32 $0xFFFFC000  }
0xab: {  	v11 =	vld [tilespmem:s28+$0xFFFFFFF0]  }
0xac: {  	s26 =	simm.s32 $0x40;
	v12 =	vld [tilespmem:s28+$0x30]  }
0xad: {  	v9 =	vld [tilespmem:s26+$0xFFFFFFF0]  }
0xae: {  	v16 =	vld [tilespmem:s28+$0x10];
	_ =	sdelay $0x1  }
0xaf: {  	v10 =	vld [tilespmem:s26+$0x10]  }
0xb0: {  	v13 =	vperm.xlane v12, v5  }
0xb1: {  	v14 =	vperm.xlane v11, v5  }
0xb2: {  	vm3 =	vne.s32 v12, v13;
	v13 =	vperm.xlane v16, v5  }
0xb3: {  	vm4 =	vne.s32 v11, v14;
	v15 =	vsel vm3, v7, v6  }
0xb4: {  	v14 =	vsel vm4, v7, v6;
	(xrf0) =	vmax.scan.msk.u32 $0xffff, v15;
	vm5 =	vne.s32 v16, v13;
	v13 =	vld.idx.msk [tilespmem:v9+s14+$0x0], $0xffff  }
0xb5: {  	(xrf0) =	vmax.scan.msk.u32 $0xffff, v14  }
0xb6: {  	v15 =	vld [tilespmem:s26+$0xFFFFFFE0];
	v9 =	vsel vm5, v7, v6  }
0xb7: {  	v14 =	vld.idx.msk [tilespmem:v10+s14+$0x0], $0xffff;
	(xrf0) =	vmax.scan.msk.u32 $0xffff, v9  }
0xb8: {  	v17 =	vld [tilespmem:s26+$0x30]  }
0xb9: {  	v18 =	vld [tilespmem:s26+$0x20];
	(xrf2) =	vadd.scan.msk.f32 $0xffff, v13  }
0xba: {  	v9 =	vld [tilespmem:s28+$0xFFFFFFD0];
	v13, _, _ =	vpop (xrf0)  }
0xbb: {  	v10 =	vld [tilespmem:s28+$0xFFFFFFE0];
	v19, _, _ =	vpop (xrf0)  }
0xbc: {  	v23 =	vld [tilespmem:s26+$0xFFFFFFD0];
	(xrf2) =	vadd.scan.msk.f32 $0xffff, v14;
	v14 =	vxor.u32 $0x80000000, v19  }
0xbd: {  	v19, _, _ =	vpop (xrf0);
	v20 =	vperm.xlane v14, v8;
	v14 =	vld [tilespmem:s28+$0x20]  }
0xbe: {  	v25 =	vld.idx.msk [tilespmem:v15+s14+$0x0], $0xffff;
	v19 =	vxor.u32 $0x80000000, v19  }
0xbf: {  	vm1 =	veq.s32 v1, $0x0;
	v24 =	vperm.xlane v9, v5;
	v19 =	vperm.xlane v19, v8  }
0xc0: {  	v21 =	vld [tilespmem:s26+$0xFFFFFFC0];
	v15 =	vperm.xlane v10, v5;
	v29 =	vsel vm1, $0xFFFFFFFF, v20  }
0xc1: {  	v22 =	vxor.u32 $0x80000000, v13;
	v13 =	vld [tilespmem:s28+$0xFFFFFFC0];
	vm2 =	vne.s32 v9, v24;
	vm0 =	vgt.s32 v29, $0x0  }
0xc2: {  	v27 =	vnsel vm0, $0x0, v29;
	vm0 =	vne.s32 v10, v15;
	v24 =	vperm.xlane v14, v5  }
0xc3: {  	v18 =	vld.idx.msk [tilespmem:v18+s14+$0x0], $0xffff;
	v28 =	vsel vm2, v7, v6;
	v20 =	vsel vm1, $0xFFFFFFFF, v19;
	v26 =	vsel vm0, v7, v6;
	v19, _, _ =	vpop (xrf2);
	(xrf2) =	vadd.scan.msk.f32 $0xffff, v25  }
0xc4: {  	vm6 =	vgt.s32 v20, $0x0;
	v30 =	vsub.s32 v1, v20;
	(xrf0) =	vmax.scan.msk.u32 $0xffff, v26;
	v25 =	vld [tilespmem:s26+$0x0];
	vm10 =	vne.s32 v14, v24  }
0xc5: {  	v23 =	vld.idx.msk [tilespmem:v23+s14+$0x0], $0xffff;
	vm7 =	vgt.s32 v20, $0xFFFFFFFF;
	v31 =	vnsel vm6, $0x0, v20;
	(xrf0) =	vmax.scan.msk.u32 $0xffff, v28;
	v20 =	vsel vm10, v7, v6  }
0xc6: {  	vm3 =	vmor vm3, vm14;
	vm5 =	vmor vm5, vm14;
	v24 =	vld.idx.msk [tilespmem:v17+s14+$0x0], $0xffff;
	v17 =	vperm.xlane v13, v5;
	v26, _, _ =	vpop (xrf2);
	(xrf0) =	vmax.scan.msk.u32 $0xffff, v20  }
0xc7: {  	v22 =	vperm.xlane v22, v8;
	v15 =	vld [tilespmem:s28+$0x0];
	vm6 =	vgt.s32 v29, $0xFFFFFFFF;
	v31 =	vperm.xlane v26, v31  }
0xc8: {  	v27 =	vperm.xlane v19, v27;
	v28 =	vsub.s32 v1, v29;
	(xrf2) =	vadd.scan.msk.f32 $0xffff, v18;
	vm9 =	vne.s32 v13, v17  }
0xc9: {  	s29 =	simm.s32 $0x80C0;
	v21 =	vld.idx.msk [tilespmem:v21+s14+$0x0], $0xffff;
	s28 =	simm.s32 $0xC0;
	s26 =	simm.s32 $0x0;
	v20 =	vcvt.s32.f32 v30;
	v18 =	vsel vm9, v7, v6;
	v29 =	vnsel vm7, $0x0, v31  }
.LBB2_4:
0xca: {  	v17 =	vld [tilespmem:s28+$0x30];
	s26 =	sadd.s32 $0x8, s26;
	vm11 =	vmor vm4, vm14;
	v27 =	vnsel vm6, $0x0, v27;
	v28 =	vcvt.s32.f32 v28;
	v30, _, _ =	vpop (xrf0)  }
0xcb: {  	v26 =	vsub.f32 v26, v29;
	v31 =	vld [tilespmem:s29+$0xFFFFFFF0];
	p1 =	slt.u32 s26, $0x3F8;
	v30 =	vxor.u32 $0x80000000, v30;
	v27 =	vsub.f32 v19, v27;
	v19, _, _ =	vpop (xrf0);
	(xrf2) =	vadd.scan.msk.f32 $0xffff, v24  }
0xcc: {  	v24 =	vxor.u32 $0x80000000, v19;
	v29 =	vperm.xlane v30, v8;
	v25 =	vld.idx.msk [tilespmem:v25+s14+$0x0], $0xffff;
	v30 =	vperm.xlane v15, v5;
	v32, _, _ =	vpop (xrf0)  }
0xcd: {  	vm6 =	vmor vm0, vm14;
	v22 =	vsel vm1, $0xFFFFFFFF, v22;
	v19 =	vld [tilespmem:s29+$0xFFFFFFD0];
	v24 =	vperm.xlane v24, v8;
	v33, _, _ =	vpop (xrf2)  }
0xce: {  	v34 =	vld [tilespmem:s29+$0x10];
	v29 =	vsel vm1, $0xFFFFFFFF, v29;
	vm4 =	vne.s32 v15, v30;
	v30 =	vxor.u32 $0x80000000, v32  }
0xcf: {  	v32 =	vld [tilespmem:s28+$0xFFFFFFF0];
	vm7 =	vgt.s32 v29, $0xFFFFFFFF;
	vm0 =	vgt.s32 v29, $0x0;
	v35 =	vsel vm4, v7, v6;
	(xrf2) =	vadd.scan.msk.f32 $0xffff, v23  }
0xd0: {  	v24 =	vsel vm1, $0xFFFFFFFF, v24;
	v37 =	vperm.xlane v30, v8;
	v23 =	vld [tilespmem:s29+$0x30];
	v36 =	vnsel vm0, $0x0, v29;
	(xrf0) =	vmax.scan.msk.u32 $0xffff, v35  }
0xd1: {  	vm8 =	vgt.s32 v24, $0x0;
	vm0 =	vmor vm10, vm14;
	v35 =	vperm.xlane v33, v36;
	[tilespmem:v16+s20+$0x0] =	vst.idx.add.f32.msk vm5, v26  }
0xd2: {  	v26 =	vnsel vm8, $0x0, v24;
	[tilespmem:v16+s21+$0x0] =	vst.idx.add.f32.msk vm5, v20;
	v20 =	vsel vm1, $0xFFFFFFFF, v37;
	(xrf0) =	vmax.scan.msk.u32 $0xffff, v18;
	v30, _, _ =	vpop (xrf2)  }
0xd3: {  	v36 =	vsub.s32 v1, v24;
	v18 =	vld [tilespmem:s28+$0xFFFFFFC0];
	vm12 =	vgt.s32 v20, $0xFFFFFFFF;
	vm5 =	vgt.s32 v20, $0x0;
	(xrf2) =	vadd.scan.msk.f32 $0xffff, v25;
	v16 =	vmovc v34  }
0xd4: {  	v34 =	vnsel vm7, $0x0, v35;
	vm7 =	vgt.s32 v22, $0x0;
	v35 =	vsub.s32 v1, v22;
	v25 =	vld [tilespmem:s28+$0x10]  }
0xd5: {  	v43 =	vsub.f32 v33, v34;
	v34 =	vnsel vm5, $0x0, v20;
	v37 =	vnsel vm7, $0x0, v22;
	v38, _, _ =	vpop (xrf2)  }
0xd6: {  	vm7 =	vmor vm9, vm14;
	v40 =	vperm.xlane v23, v5;
	v34 =	vperm.xlane v30, v34;
	v39 =	vld [tilespmem:s28+$0xFFFFFFE0];
	v41, _, _ =	vpop (xrf0)  }
0xd7: {  	v20 =	vsub.s32 v1, v20;
	vm5 =	vgt.s32 v22, $0xFFFFFFFF;
	v22 =	vperm.xlane v38, v37;
	v42 =	vld [tilespmem:s28+$0x20];
	(xrf2) =	vadd.scan.msk.f32 $0xffff, v21  }
0xd8: {  	vm9 =	vmor vm4, vm14;
	v21 =	vperm.xlane v31, v5;
	vm8 =	vne.s32 v23, v40;
	[tilespmem:v10+s20+$0x0] =	vst.idx.add.f32.msk vm6, v43;
	v33, _, _ =	vpop (xrf0)  }
0xd9: {  	v37 =	vsel vm8, v7, v6;
	v22 =	vnsel vm5, $0x0, v22;
	v33 =	vxor.u32 $0x80000000, v33;
	[tilespmem:v11+s20+$0x0] =	vst.idx.add.f32.msk vm11, v27;
	v27, _, _ =	vpop (xrf2)  }
0xda: {  	v20 =	vcvt.s32.f32 v20;
	vm4 =	vne.s32 v31, v21;
	v22 =	vsub.f32 v38, v22;
	v32 =	vld.idx.msk [tilespmem:v32+s14+$0x0], $0xffff;
	(xrf0) =	vmax.scan.msk.u32 $0xffff, v37  }
0xdb: {  	v29 =	vsub.s32 v1, v29;
	v38 =	vperm.xlane v16, v5;
	v37 =	vsel vm4, v7, v6;
	v21 =	vld [tilespmem:s29+$0xFFFFFFC0]  }
0xdc: {  	vm10 =	vmor vm2, vm14;
	vm2 =	vgt.s32 v24, $0xFFFFFFFF;
	(xrf0) =	vmax.scan.msk.u32 $0xffff, v37;
	[tilespmem:v12+s20+$0x0] =	vst.idx.add.f32.msk vm3, v22  }
0xdd: {  	v24 =	vnsel vm12, $0x0, v34;
	vm5 =	vne.s32 v16, v38;
	v22 =	vxor.u32 $0x80000000, v41;
	[tilespmem:v11+s21+$0x0] =	vst.idx.add.f32.msk vm11, v28;
	v28, _, _ =	vpop (xrf2)  }
0xde: {  	v33 =	vperm.xlane v33, v8;
	v26 =	vperm.xlane v27, v26;
	v34 =	vsel vm5, v7, v6;
	v11 =	vmovc v31  }
0xdf: {  	v35 =	vcvt.s32.f32 v35;
	v24 =	vsub.f32 v30, v24;
	v22 =	vperm.xlane v22, v8;
	v25 =	vld.idx.msk [tilespmem:v25+s14+$0x0], $0xffff;
	(xrf0) =	vmax.scan.msk.u32 $0xffff, v34  }
0xe0: {  	v29 =	vcvt.s32.f32 v29;
	v33 =	vsel vm1, $0xFFFFFFFF, v33;
	v34 =	vcvt.s32.f32 v36;
	v31 =	vld [tilespmem:s29+$0xFFFFFFE0];
	(xrf2) =	vadd.scan.msk.f32 $0xffff, v32;
	v32, _, _ =	vpop (xrf0)  }
0xe1: {  	v26 =	vnsel vm2, $0x0, v26;
	vm11 =	vgt.s32 v33, $0x0;
	v32 =	vxor.u32 $0x80000000, v32;
	[tilespmem:v12+s21+$0x0] =	vst.idx.add.f32.msk vm3, v35;
	v30, _, _ =	vpop (xrf2)  }
0xe2: {  	vm2 =	vgt.s32 v33, $0xFFFFFFFF;
	v35 =	vnsel vm11, $0x0, v33;
	v33 =	vsub.s32 v1, v33;
	v12, _, _ =	vpop (xrf0);
	[tilespmem:v14+s20+$0x0] =	vst.idx.add.f32.msk vm0, v24  }
0xe3: {  	v22 =	vsel vm1, $0xFFFFFFFF, v22;
	v35 =	vperm.xlane v30, v35;
	v24 =	vxor.u32 $0x80000000, v12;
	[tilespmem:v14+s21+$0x0] =	vst.idx.add.f32.msk vm0, v20;
	v12 =	vmovc v23  }
0xe4: {  	v20 =	vperm.xlane v19, v5;
	v23 =	vperm.xlane v24, v8;
	v14 =	vld [tilespmem:s29+$0x20];
	v24 =	vsub.f32 v27, v26  }
0xe5: {  	v36 =	vsub.s32 v1, v22;
	vm0 =	vgt.s32 v22, $0x0;
	v35 =	vnsel vm2, $0x0, v35;
	v26 =	vld [tilespmem:s28+$0xFFFFFFD0];
	v27, _, _ =	vpop (xrf0)  }
0xe6: {  	v37 =	vld.idx.msk [tilespmem:v39+s14+$0x0], $0xffff;
	v38 =	vsel vm1, $0xFFFFFFFF, v23;
	v23 =	vxor.u32 $0x80000000, v27;
	(xrf2) =	vadd.scan.msk.f32 $0xffff, v25;
	v25 =	vnsel vm0, $0x0, v22  }
0xe7: {  	vm0 =	vgt.s32 v38, $0x0;
	v23 =	vperm.xlane v23, v8;
	[tilespmem:v9+s20+$0x0] =	vst.idx.add.f32.msk vm10, v24;
	v24 =	vperm.xlane v28, v25  }
0xe8: {  	v25 =	vperm.xlane v31, v5;
	v27 =	vnsel vm0, $0x0, v38;
	v39 =	vld.idx.msk [tilespmem:v42+s14+$0x0], $0xffff;
	vm0 =	vgt.s32 v22, $0xFFFFFFFF  }
0xe9: {  	vm2 =	vne.s32 v19, v20;
	v20 =	vsel vm1, $0xFFFFFFFF, v23;
	[tilespmem:v9+s21+$0x0] =	vst.idx.add.f32.msk vm10, v34;
	v34 =	vcvt.s32.f32 v36;
	v9 =	vmovc v19  }
0xea: {  	vm3 =	vgt.s32 v20, $0x0;
	v36 =	vsub.s32 v1, v20;
	v19, _, _ =	vpop (xrf2);
	[tilespmem:v10+s21+$0x0] =	vst.idx.add.f32.msk vm6, v29;
	v29 =	vnsel vm0, $0x0, v24  }
0xeb: {  	v30 =	vsub.f32 v30, v35;
	vm0 =	vne.s32 v31, v25;
	v10 =	vmovc v31;
	v40 =	vld [tilespmem:s29+$0x0];
	v41 =	vnsel vm3, $0x0, v20  }
0xec: {  	vm5 =	vmor vm5, vm14;
	v31 =	vperm.xlane v14, v5;
	v24 =	vld.idx.msk [tilespmem:v17+s14+$0x0], $0xffff;
	v17 =	vcvt.s32.f32 v33  }
0xed: {  	v22 =	vperm.xlane v32, v8;
	v35 =	vsel vm0, v7, v6;
	v33 =	vsel vm2, v7, v6;
	v25 =	vld [tilespmem:s28+$0x0];
	(xrf2) =	vadd.scan.msk.f32 $0xffff, v37  }
0xee: {  	vm3 =	vgt.s32 v20, $0xFFFFFFFF;
	v20 =	vsub.f32 v28, v29;
	vm10 =	vne.s32 v14, v31;
	v23 =	vld.idx.msk [tilespmem:v26+s14+$0x0], $0xffff;
	(xrf0) =	vmax.scan.msk.u32 $0xffff, v35  }
.Ltmp1:
0xef: {  	v29 =	vperm.xlane v21, v5;
	v31 =	vsel vm10, v7, v6;
	(xrf0) =	vmax.scan.msk.u32 $0xffff, v33;
	[tilespmem:v13+s20+$0x0] =	vst.idx.add.f32.msk vm7, v30;
	(pc) =	sbr.rel @p1 .LBB2_4-.Ltmp1, $4  }
0xf0: {  	v27 =	vperm.xlane v19, v27;
	v28 =	vsub.s32 v1, v38;
	v26, _, _ =	vpop (xrf2);
	(xrf0) =	vmax.scan.msk.u32 $0xffff, v31;
	[tilespmem:v15+s20+$0x0] =	vst.idx.add.f32.msk vm9, v20  }
0xf1: {  	v20 =	vcvt.s32.f32 v36;
	v30 =	vperm.xlane v26, v41;
	[tilespmem:v15+s21+$0x0] =	vst.idx.add.f32.msk vm9, v34;
	v15 =	vmov v40  }
0xf2: {  	vm6 =	vgt.s32 v38, $0xFFFFFFFF;
	vm9 =	vne.s32 v21, v29;
	(xrf2) =	vadd.scan.msk.f32 $0xffff, v39;
	[tilespmem:v13+s21+$0x0] =	vst.idx.add.f32.msk vm7, v17;
	v13 =	vmovc v21  }
0xf3: {  	s29 =	sadd.s32 $0x80, s29;
	s28 =	sadd.s32 $0x80, s28;
	v21 =	vld.idx.msk [tilespmem:v18+s14+$0x0], $0xffff;
	v18 =	vsel vm9, v7, v6;
	v29 =	vnsel vm3, $0x0, v30;
	vm3 =	vmor vm8, vm14  }
0xf4: {  	vm4 =	vmor vm4, vm14  }
0xf5: {  	v27 =	vnsel vm6, $0x0, v27;
	v28 =	vcvt.s32.f32 v28;
	v26 =	vsub.f32 v26, v29  }
0xf6: {  	v17, _, _ =	vpop (xrf0);
	(xrf2) =	vadd.scan.msk.f32 $0xffff, v24;
	vm0 =	vmor vm0, vm14;
	v22 =	vsel vm1, $0xFFFFFFFF, v22;
	vm7 =	vmor vm10, vm14  }
0xf7: {  	v17 =	vxor.u32 $0x80000000, v17;
	v30, _, _ =	vpop (xrf0);
	v19 =	vsub.f32 v19, v27;
	v27 =	vperm.xlane v15, v5  }
0xf8: {  	v25 =	vld.idx.msk [tilespmem:v25+s14+$0x0], $0xffff;
	vm2 =	vmor vm2, vm14;
	v24 =	vxor.u32 $0x80000000, v30;
	v17 =	vperm.xlane v17, v8;
	v29, _, _ =	vpop (xrf0)  }
0xf9: {  	v24 =	vperm.xlane v24, v8;
	vm8 =	vne.s32 v15, v27;
	v27 =	vxor.u32 $0x80000000, v29  }
0xfa: {  	(xrf2) =	vadd.scan.msk.f32 $0xffff, v23;
	v17 =	vsel vm1, $0xFFFFFFFF, v17;
	v29 =	vsel vm8, v7, v6;
	vm8 =	vmor vm8, vm14  }
0xfb: {  	vm6 =	vgt.s32 v17, $0x0;
	v23 =	vsel vm1, $0xFFFFFFFF, v24;
	v24 =	vperm.xlane v27, v8;
	(xrf0) =	vmax.scan.msk.u32 $0xffff, v29  }
0xfc: {  	vm11 =	vgt.s32 v17, $0xFFFFFFFF;
	v27, _, _ =	vpop (xrf2);
	v29 =	vnsel vm6, $0x0, v17;
	vm6 =	vgt.s32 v23, $0x0;
	(xrf0) =	vmax.scan.msk.u32 $0xffff, v18  }
0xfd: {  	v30 =	vsub.s32 v1, v23;
	(xrf2) =	vadd.scan.msk.f32 $0xffff, v25;
	v18 =	vperm.xlane v27, v29;
	v24 =	vsel vm1, $0xFFFFFFFF, v24  }
0xfe: {  	v17 =	vsub.s32 v1, v17;
	v29 =	vnsel vm6, $0x0, v23;
	vm10 =	vgt.s32 v24, $0xFFFFFFFF;
	v25, _, _ =	vpop (xrf2);
	(xrf2) =	vadd.scan.msk.f32 $0xffff, v21  }
0xff: {  	vm6 =	vgt.s32 v24, $0x0;
	v18 =	vnsel vm11, $0x0, v18;
	vm11 =	vgt.s32 v22, $0x0  }
0x100: {  	v21 =	vsub.s32 v1, v22;
	v18 =	vsub.f32 v27, v18;
	v27 =	vnsel vm11, $0x0, v22;
	v31, _, _ =	vpop (xrf2)  }
0x101: {  	v32 =	vnsel vm6, $0x0, v24;
	vm6 =	vmor vm9, vm14;
	v33, _, _ =	vpop (xrf0);
	v27 =	vperm.xlane v31, v27  }
0x102: {  	[tilespmem:v16+s20+$0x0] =	vst.idx.add.f32.msk vm5, v26;
	v24 =	vsub.s32 v1, v24;
	vm9 =	vgt.s32 v22, $0xFFFFFFFF;
	v21 =	vcvt.s32.f32 v21;
	v22, _, _ =	vpop (xrf0)  }
0x103: {  	[tilespmem:v16+s21+$0x0] =	vst.idx.add.f32.msk vm5, v20;
	v32 =	vperm.xlane v25, v32;
	v22 =	vxor.u32 $0x80000000, v22;
	v26 =	vnsel vm9, $0x0, v27  }
0x104: {  	[tilespmem:v10+s20+$0x0] =	vst.idx.add.f32.msk vm0, v18;
	v18 =	vxor.u32 $0x80000000, v33;
	v20 =	vsub.f32 v31, v26;
	v22 =	vperm.xlane v22, v8  }
0x105: {  	[tilespmem:v11+s20+$0x0] =	vst.idx.add.f32.msk vm4, v19;
	vm5 =	vgt.s32 v23, $0xFFFFFFFF;
	v16 =	vcvt.s32.f32 v24;
	v19, _, _ =	vpop (xrf2);
	v18 =	vperm.xlane v18, v8  }
0x106: {  	v23 =	vnsel vm10, $0x0, v32;
	[tilespmem:v12+s20+$0x0] =	vst.idx.add.f32.msk vm3, v20;
	v20 =	vperm.xlane v19, v29;
	v22 =	vsel vm1, $0xFFFFFFFF, v22  }
0x107: {  	[tilespmem:v11+s21+$0x0] =	vst.idx.add.f32.msk vm4, v28;
	v23 =	vsub.f32 v25, v23;
	v18 =	vsel vm1, $0xFFFFFFFF, v18;
	v11, _, _ =	vpop (xrf2);
	vm4 =	vgt.s32 v22, $0x0  }
0x108: {  	vm1 =	vgt.s32 v18, $0x0;
	[tilespmem:v12+s21+$0x0] =	vst.idx.add.f32.msk vm3, v21;
	v20 =	vnsel vm5, $0x0, v20;
	v12, _, _ =	vpop (xrf2);
	v21 =	vnsel vm4, $0x0, v22  }
0x109: {  	[tilespmem:v14+s20+$0x0] =	vst.idx.add.f32.msk vm7, v23;
	v21 =	vperm.xlane v12, v21;
	v19 =	vsub.f32 v19, v20;
	v20 =	vnsel vm1, $0x0, v18  }
0x10a: {  	v23 =	vcvt.s32.f32 v30;
	[tilespmem:v14+s21+$0x0] =	vst.idx.add.f32.msk vm7, v16;
	vm1 =	vgt.s32 v22, $0xFFFFFFFF;
	v14 =	vperm.xlane v11, v20  }
0x10b: {  	v16 =	vcvt.s32.f32 v17;
	v17 =	vnsel vm1, $0x0, v21;
	[tilespmem:v9+s20+$0x0] =	vst.idx.add.f32.msk vm2, v19;
	vm1 =	vgt.s32 v18, $0xFFFFFFFF  }
0x10c: {  	[tilespmem:v9+s21+$0x0] =	vst.idx.add.f32.msk vm2, v23;
	v9 =	vnsel vm1, $0x0, v14;
	v12 =	vsub.f32 v12, v17  }
0x10d: {  	[tilespmem:v10+s21+$0x0] =	vst.idx.add.f32.msk vm0, v16;
	v10 =	vsub.s32 v1, v22;
	v9 =	vsub.f32 v11, v9  }
0x10e: {  	v10 =	vcvt.s32.f32 v10;
	v14 =	vsub.s32 v1, v18;
	[tilespmem:v13+s20+$0x0] =	vst.idx.add.f32.msk vm6, v12  }
0x10f: {  	v11 =	vcvt.s32.f32 v14;
	[tilespmem:v15+s20+$0x0] =	vst.idx.add.f32.msk vm8, v9  }
0x110: {  	[tilespmem:v13+s21+$0x0] =	vst.idx.add.f32.msk vm6, v10  }
0x111: {  	[tilespmem:v15+s21+$0x0] =	vst.idx.add.f32.msk vm8, v11  }
0x112: {  	_ =	swait.ge [sflag:s22], $0x4000  }
0x113: {  	[sflag:s22] =	ssyncset.done $0x0  }
0x114: {  	[sflag:s22] =	ssyncadd.s32 $0xFFFFC000  }
0x115: {  	_ =	swait.ge [sflag:s22], $0x4000  }
0x116: {  	[sflag:s22] =	ssyncset.done $0x0  }
0x117: {  	s26 =	simm.s32 $0x0;
	[sflag:s22] =	ssyncadd.s32 $0xFFFFC000  }
0x118: {  	v13 =	vld [tilespmem:s26+$0xC070]  }
0x119: {  	v12 =	vld [tilespmem:s26+$0xC010]  }
0x11a: {  	v9 =	vld [tilespmem:s26+$0xC020];
	_ =	sdelay $0x1  }
0x11b: {  	v10 =	vld [tilespmem:s26+$0xC050]  }
0x11c: {  	v11 =	vld [tilespmem:s26+$0xC040];
	v15 =	vperm.xlane v13, v5  }
0x11d: {  	v14 =	vld [tilespmem:s26+$0xC000];
	v16 =	vperm.xlane v12, v5  }
0x11e: {  	vm3 =	vne.s32 v13, v15;
	v15 =	vperm.xlane v9, v5  }
0x11f: {  	vm4 =	vne.s32 v12, v16;
	v17 =	vsel vm3, v7, v6  }
0x120: {  	v18 =	vld [tilespmem:s26+$0x4040];
	v16 =	vperm.xlane v10, v5;
	(xrf0) =	vmax.scan.msk.u32 $0xffff, v17;
	v17 =	vsel vm4, v7, v6;
	vm6 =	vne.s32 v9, v15  }
0x121: {  	v19 =	vld [tilespmem:s26+$0x4060];
	v15 =	vperm.xlane v11, v5;
	v20 =	vsel vm6, v7, v6;
	(xrf0) =	vmax.scan.msk.u32 $0xffff, v17  }
0x122: {  	vm5 =	vne.s32 v10, v16;
	v16 =	vld [tilespmem:s26+$0xC060];
	(xrf0) =	vmax.scan.msk.u32 $0xffff, v20;
	v20 =	vperm.xlane v14, v5  }
0x123: {  	vm0 =	vne.s32 v11, v15;
	v15 =	vimm.s32 $0x0  }
0x124: {  	v15 =	vsel vm0, $0xFFFFFFFF, v15  }
0x125: {  	v17 =	vsel vm5, v7, v6;
	[tilespmem:$0x1FFF0] =	vst v15  }
0x126: {  	(xrf0) =	vmax.scan.msk.u32 $0xffff, v17;
	v17 =	vsel vm0, v7, v6;
	vm0 =	vne.s32 v14, v20;
	v15 =	vld [tilespmem:s26+$0xC030];
	v20, _, _ =	vpop (xrf0)  }
0x127: {  	v21 =	vperm.xlane v16, v5;
	v20 =	vxor.u32 $0x80000000, v20  }
0x128: {  	(xrf0) =	vmax.scan.msk.u32 $0xffff, v17;
	v17 =	vsel vm0, v7, v6;
	v18 =	vld.idx.msk [tilespmem:v18+s14+$0x0], $0xffff;
	v20 =	vperm.xlane v20, v8  }
0x129: {  	vm1 =	veq.s32 v1, $0x0;
	v24 =	vld [tilespmem:s26+$0x4020];
	vm13 =	vne.s32 v16, v21  }
0x12a: {  	v19 =	vld.idx.msk [tilespmem:v19+s14+$0x0], $0xffff;
	(xrf0) =	vmax.scan.msk.u32 $0xffff, v17;
	v22 =	vsel vm1, $0xFFFFFFFF, v20;
	v20 =	vsel vm13, v7, v6  }
0x12b: {  	v17, _, _ =	vpop (xrf0);
	v25 =	vperm.xlane v15, v5;
	(xrf0) =	vmax.scan.msk.u32 $0xffff, v20  }
0x12c: {  	v21 =	vld [tilespmem:s26+$0x4030];
	v23, _, _ =	vpop (xrf0)  }
0x12d: {  	vm0 =	vmor vm0, vm14;
	v26, _, _ =	vpop (xrf0);
	vm9 =	vne.s32 v15, v25  }
0x12e: {  	v28 =	vld [tilespmem:s26+$0x4070];
	v17 =	vxor.u32 $0x80000000, v17;
	(xrf2) =	vadd.scan.msk.f32 $0xffff, v18;
	v27, _, _ =	vpop (xrf0);
	v20 =	vxor.u32 $0x80000000, v23;
	v23 =	vsel vm9, v7, v6  }
0x12f: {  	v17 =	vperm.xlane v17, v8;
	vm10 =	vgt.s32 v22, $0x0;
	(xrf2) =	vadd.scan.msk.f32 $0xffff, v19;
	v25 =	vxor.u32 $0x80000000, v27  }
0x130: {  	v19 =	vxor.u32 $0x80000000, v26;
	v31 =	vsub.s32 v1, v22;
	v27, _, _ =	vpop (xrf0);
	v25 =	vperm.xlane v25, v8;
	(xrf0) =	vmax.scan.msk.u32 $0xffff, v23  }
0x131: {  	v34 =	vperm.xlane v20, v8;
	v18 =	vsel vm1, $0xFFFFFFFF, v17;
	v17 =	vxor.u32 $0x80000000, v27;
	v27 =	vld [tilespmem:s26+$0x4010];
	v23, _, _ =	vpop (xrf0)  }
0x132: {  	v20 =	vperm.xlane v19, v8;
	v26 =	vsel vm1, $0xFFFFFFFF, v25;
	v25 =	vld.idx.msk [tilespmem:v24+s14+$0x0], $0xffff;
	v24 =	vxor.u32 $0x80000000, v23  }
0x133: {  	v29 =	vld [tilespmem:s26+$0x4050];
	vm2 =	vgt.s32 v18, $0x0;
	v17 =	vperm.xlane v17, v8;
	v24 =	vperm.xlane v24, v8  }
0x134: {  	v30 =	vsub.s32 v1, v18;
	v19 =	vnsel vm2, $0x0, v18;
	v20 =	vsel vm1, $0xFFFFFFFF, v20;
	v35 =	vld.idx.msk [tilespmem:v21+s14+$0x0], $0xffff  }
0x135: {  	vm7 =	vgt.s32 v26, $0x0;
	v17 =	vsel vm1, $0xFFFFFFFF, v17;
	v44 =	vsel vm1, $0xFFFFFFFF, v24;
	v24 =	vld [tilespmem:s26+$0x4000]  }
0x136: {  	v38 =	vld.idx.msk [tilespmem:v28+s14+$0x0], $0xffff;
	v32 =	vnsel vm7, $0x0, v26;
	vm2 =	vgt.s32 v17, $0x0;
	v37 =	vsub.s32 v1, v17;
	v28, _, _ =	vpop (xrf0)  }
0x137: {  	vm11 =	vgt.s32 v17, $0xFFFFFFFF;
	v21 =	vnsel vm2, $0x0, v17;
	v17 =	vxor.u32 $0x80000000, v28  }
0x138: {  	vm7 =	vmmov vm0;
	vm2 =	vgt.s32 v20, $0x0;
	v39 =	vperm.xlane v17, v8  }
0x139: {  	v23 =	vsub.s32 v1, v20;
	(xrf2) =	vadd.scan.msk.f32 $0xffff, v25;
	v25 =	vsub.s32 v1, v26;
	v28 =	vnsel vm2, $0x0, v20  }
0x13a: {  	v36, _, _ =	vpop (xrf2);
	v33 =	vld.idx.msk [tilespmem:v27+s14+$0x0], $0xffff;
	(xrf2) =	vadd.scan.msk.f32 $0xffff, v35;
	vm2 =	vgt.s32 v44, $0x0;
	v17 =	vcvt.s32.f32 v37;
	v35 =	vsel vm1, $0xFFFFFFFF, v39  }
0x13b: {  	s28 =	simm.s32 $0x200;
	s26 =	simm.s32 $0x400;
	v43, _, _ =	vpop (xrf2);
	v37 =	vld.idx.msk [tilespmem:v29+s14+$0x0], $0xffff;
	(xrf2) =	vadd.scan.msk.f32 $0xffff, v38;
	v45 =	vnsel vm2, $0x0, v44;
	vm8 =	vgt.s32 v35, $0x0;
	v42 =	vsub.s32 v1, v35  }
.LBB2_6:
0x13c: {  	_ = 	snop  }
0x13d: {  	s29 =	sshra.s32 s28, $0x2;
	v39 =	vld.idx.msk [tilespmem:v24+s14+$0x0], $0xffff;
	vm1 =	vmor vm4, vm14;
	vm0 =	vmor vm6, vm14  }
0x13e: {  	v24 =	vimm.s32 $0x0;
	v29 =	vimm.s32 $0x0;
	v41 =	vcvt.s32.f32 v31;
	v40 =	vld [tilespmem:s29+$0xC070]  }
0x13f: {  	vm12 =	veq.s32 v1, $0x0;
	vm4 =	vgt.s32 v35, $0xFFFFFFFF;
	vm15 =	vmor vm3, vm14  }
0x140: {  	v45 =	vperm.xlane v43, v45;
	vm3 =	vgt.s32 v44, $0xFFFFFFFF;
	v24 =	vsel vm0, $0xFFFFFFFF, v24  }
0x141: {  	v58 =	vsub.s32 v1, v44;
	v32 =	vperm.xlane v36, v32;
	[tilespmem:$0x1FFD0] =	vst v24;
	v24 =	vnsel vm8, $0x0, v35;
	v35 =	vld [tilespmem:s29+$0xC010]  }
0x142: {  	vm9 =	vmor vm9, vm14;
	vm0 =	vmor vm5, vm14;
	v34 =	vsel vm12, $0xFFFFFFFF, v34  }
0x143: {  	v31 =	vld [tilespmem:s29+$0xC020];
	vm5 =	vgt.s32 v22, $0xFFFFFFFF;
	v22 =	vnsel vm10, $0x0, v22;
	v57 =	vperm.xlane v40, v5;
	v46, _, _ =	vpop (xrf2)  }
0x144: {  	v44 =	vcvt.s32.f32 v58;
	vm10 =	vgt.s32 v18, $0xFFFFFFFF;
	v29 =	vsel vm0, $0xFFFFFFFF, v29;
	v47, _, _ =	vpop (xrf2);
	(xrf2) =	vadd.scan.msk.f32 $0xffff, v37  }
0x145: {  	v27 =	vld [tilespmem:s29+$0xC050];
	vm2 =	vgt.s32 v34, $0x0;
	v56 =	vnsel vm3, $0x0, v45;
	vm3 =	vne.s32 v40, v57;
	(xrf2) =	vadd.scan.msk.f32 $0xffff, v33  }
0x146: {  	v59 =	vld [tilespmem:s29+$0x4010];
	v60 =	vperm.xlane v35, v5;
	v24 =	vperm.xlane v47, v24;
	v50, _, _ =	vpop (xrf2);
	v52 =	vsel vm3, v7, v6;
	(xrf2) =	vadd.scan.msk.f32 $0xffff, v39  }
0x147: {  	v18 =	vld [tilespmem:$0x1FFF0];
	v38 =	vsub.s32 v1, v34;
	vm0 =	vmor vm13, vm14;
	vm13 =	vgt.s32 v20, $0xFFFFFFFF;
	(xrf0) =	vmax.scan.msk.u32 $0xffff, v52  }
0x148: {  	v51 =	vperm.xlane v31, v5;
	v39 =	vld [tilespmem:s29+$0xC040];
	v49 =	vnsel vm4, $0x0, v24;
	vm4 =	vne.s32 v35, v60  }
0x149: {  	[tilespmem:$0x1FFE0] =	vst v29;
	v29 =	vnsel vm2, $0x0, v34;
	v33 =	vld [tilespmem:s29+$0x4060];
	v22 =	vperm.xlane v50, v22;
	v61 =	vsel vm4, v7, v6  }
0x14a: {  	v53 =	vld [tilespmem:s29+$0x4040];
	v20 =	vimm.s32 $0x0;
	v48 =	vperm.xlane v46, v29;
	vm6 =	vne.s32 v31, v51;
	(xrf0) =	vmax.scan.msk.u32 $0xffff, v61  }
0x14b: {  	v29 =	vld [tilespmem:s29+$0xC000];
	v22 =	vnsel vm5, $0x0, v22;
	vm5 =	vgt.s32 v26, $0xFFFFFFFF;
	v26 =	vsel vm6, v7, v6  }
0x14c: {  	v63 =	vld [tilespmem:s29+$0xC030];
	vm2 =	vgt.s32 v34, $0xFFFFFFFF;
	v34 =	vsub.f32 v43, v56;
	v62 =	vperm.xlane v27, v5;
	(xrf0) =	vmax.scan.msk.u32 $0xffff, v26  }
0x14d: {  	v37 =	vld [tilespmem:s29+$0xC060];
	v48 =	vnsel vm2, $0x0, v48;
	vm2 =	vnez.u8 v18;
	v55 =	vperm.xlane v39, v5;
	v58, _, _ =	vpop (xrf0)  }
0x14e: {  	v57 =	vld [tilespmem:s29+$0x4070];
	v46 =	vsub.f32 v46, v48;
	v48 =	vcvt.s32.f32 v23;
	v22 =	vsub.f32 v50, v22;
	v50, _, _ =	vpop (xrf2)  }
0x14f: {  	[tilespmem:v16+s20+$0x0] =	vst.idx.add.f32.msk vm0, v34;
	v32 =	vnsel vm5, $0x0, v32;
	vm5 =	vne.s32 v27, v62;
	vm8 =	vne.s32 v39, v55;
	v23, _, _ =	vpop (xrf2)  }
0x150: {  	v26 =	vsel vm5, v7, v6;
	[tilespmem:v13+s20+$0x0] =	vst.idx.add.f32.msk vm15, v22;
	v22 =	vperm.xlane v29, v5;
	v20 =	vsel vm8, $0xFFFFFFFF, v20;
	v18, _, _ =	vpop (xrf0)  }
0x151: {  	(xrf0) =	vmax.scan.msk.u32 $0xffff, v26;
	[tilespmem:$0x1FFF0] =	vst v20;
	v20 =	vsel vm8, v7, v6;
	v26 =	vld.idx.msk [tilespmem:v33+s14+$0x0], $0xffff;
	v54, _, _ =	vpop (xrf2)  }
0x152: {  	v42 =	vcvt.s32.f32 v42;
	v60 =	vperm.xlane v63, v5;
	vm8 =	vne.s32 v29, v22;
	v33 =	vld.idx.msk [tilespmem:v59+s14+$0x0], $0xffff;
	v59, _, _ =	vpop (xrf0);
	(xrf0) =	vmax.scan.msk.u32 $0xffff, v20  }
0x153: {  	v51 =	vld [tilespmem:s29+$0x4030];
	v47 =	vsub.f32 v47, v49;
	v20 =	vperm.xlane v54, v21;
	v21 =	vsel vm8, v7, v6  }
0x154: {  	v53 =	vld.idx.msk [tilespmem:v53+s14+$0x0], $0xffff;
	v62 =	vperm.xlane v37, v5;
	v28 =	vperm.xlane v50, v28;
	(xrf0) =	vmax.scan.msk.u32 $0xffff, v21  }
0x155: {  	[tilespmem:v15+s20+$0x0] =	vst.idx.add.f32.msk vm9, v47;
	v34 =	vxor.u32 $0x80000000, v58;
	v19 =	vperm.xlane v23, v19;
	v61 =	vxor.u32 $0x80000000, v59  }
0x156: {  	[tilespmem:v15+s21+$0x0] =	vst.idx.add.f32.msk vm9, v42;
	v28 =	vnsel vm13, $0x0, v28;
	vm13 =	vne.s32 v37, v62;
	v20 =	vnsel vm11, $0x0, v20  }
0x157: {  	v56 =	vld.idx.msk [tilespmem:v57+s14+$0x0], $0xffff;
	v19 =	vnsel vm10, $0x0, v19;
	v57 =	vsub.f32 v54, v20;
	v20 =	vsel vm13, v7, v6;
	v21, _, _ =	vpop (xrf0)  }
0x158: {  	v45 =	vld [tilespmem:s29+$0x4020];
	v15 =	vmov v63;
	v34 =	vperm.xlane v34, v8;
	v58, _, _ =	vpop (xrf0);
	(xrf0) =	vmax.scan.msk.u32 $0xffff, v20;
	v20 =	vsub.f32 v23, v19  }
0x159: {  	v30 =	vcvt.s32.f32 v30;
	vm9 =	vne.s32 v15, v60;
	[tilespmem:v16+s21+$0x0] =	vst.idx.add.f32.msk vm0, v44  }
0x15a: {  	v22 =	vsel vm12, $0xFFFFFFFF, v34;
	(xrf2) =	vadd.scan.msk.f32 $0xffff, v53;
	v34 =	vperm.xlane v61, v8;
	v61, _, _ =	vpop (xrf0);
	[tilespmem:v12+s20+$0x0] =	vst.idx.add.f32.msk vm1, v20  }
0x15b: {  	v16 =	vsel vm9, v7, v6;
	(xrf2) =	vadd.scan.msk.f32 $0xffff, v26;
	v26 =	vxor.u32 $0x80000000, v61;
	[tilespmem:v12+s21+$0x0] =	vst.idx.add.f32.msk vm1, v30  }
0x15c: {  	vm2 =	vmor vm2, vm14;
	(xrf0) =	vmax.scan.msk.u32 $0xffff, v16;
	v12 =	vld [tilespmem:$0x1FFD0];
	v16 =	vperm.xlane v26, v8  }
0x15d: {  	v43 =	vld [tilespmem:s29+$0x4050];
	v18 =	vxor.u32 $0x80000000, v18  }
0x15e: {  	v18 =	vperm.xlane v18, v8;
	v62 =	vsel vm12, $0xFFFFFFFF, v16;
	v16 =	vld [tilespmem:$0x1FFE0]  }
0x15f: {  	v24 =	vld [tilespmem:s29+$0x4000]  }
0x160: {  	v32 =	vsub.f32 v36, v32;
	v63 =	vld.idx.msk [tilespmem:v45+s14+$0x0], $0xffff;
	v18 =	vsel vm12, $0xFFFFFFFF, v18  }
0x161: {  	v25 =	vcvt.s32.f32 v25;
	[tilespmem:v13+s21+$0x0] =	vst.idx.add.f32.msk vm15, v41;
	vm11 =	vgt.s32 v18, $0x0;
	vm1 =	vnez.u8 v12  }
0x162: {  	[tilespmem:v11+s20+$0x0] =	vst.idx.add.f32.msk vm2, v32;
	v19 =	vnsel vm11, $0x0, v18;
	v21 =	vxor.u32 $0x80000000, v21;
	v60 =	vxor.u32 $0x80000000, v58  }
0x163: {  	[tilespmem:v11+s21+$0x0] =	vst.idx.add.f32.msk vm2, v25;
	v23 =	vperm.xlane v60, v8;
	v20 =	vperm.xlane v21, v8;
	vm11 =	vnez.u8 v16  }
0x164: {  	v59 =	vld.idx.msk [tilespmem:v51+s14+$0x0], $0xffff;
	vm10 =	vgt.s32 v22, $0x0;
	v28 =	vsub.f32 v50, v28  }
0x165: {  	(xrf2) =	vadd.scan.msk.f32 $0xffff, v63;
	[tilespmem:v14+s20+$0x0] =	vst.idx.add.f32.msk vm7, v57;
	v26 =	vsel vm12, $0xFFFFFFFF, v23;
	v20 =	vsel vm12, $0xFFFFFFFF, v20  }
0x166: {  	v13 =	vmovc v40;
	v11 =	vmovc v39;
	[tilespmem:v14+s21+$0x0] =	vst.idx.add.f32.msk vm7, v17;
	v30 =	vcvt.s32.f32 v38;
	vm0 =	vgt.s32 v26, $0x0;
	vm7 =	vgt.s32 v20, $0x0  }
0x167: {  	v32 =	vnsel vm0, $0x0, v26;
	vm0 =	vmor vm8, vm14;
	v23, _, _ =	vpop (xrf0);
	vm8 =	vgt.s32 v62, $0x0;
	[tilespmem:v9+s20+$0x0] =	vst.idx.add.f32.msk vm1, v46  }
0x168: {  	s26 =	sadd.s32 $0x8, s26;
	v25 =	vsub.s32 v1, v26;
	v63 =	vsub.s32 v1, v62;
	v21 =	vnsel vm8, $0x0, v62;
	v17, _, _ =	vpop (xrf0);
	[tilespmem:v9+s21+$0x0] =	vst.idx.add.f32.msk vm1, v30  }
0x169: {  	p1 =	slt.u32 s26, $0x7F8;
	v36, _, _ =	vpop (xrf2);
	v17 =	vxor.u32 $0x80000000, v17;
	v30 =	vsub.s32 v1, v18;
	[tilespmem:v10+s20+$0x0] =	vst.idx.add.f32.msk vm11, v28;
	v28 =	vxor.u32 $0x80000000, v23  }
.Ltmp2:
0x16a: {  	v9 =	vmovc v31;
	v31 =	vsub.s32 v1, v22;
	v23 =	vsub.s32 v1, v20;
	v14 =	vperm.xlane v28, v8;
	(pc) =	sbr.rel @p1 .LBB2_6-.Ltmp2, $4  }
0x16b: {  	vm1 =	veq.s32 v1, $0x0;
	[tilespmem:v10+s21+$0x0] =	vst.idx.add.f32.msk vm11, v48;
	vm11 =	vgt.s32 v62, $0xFFFFFFFF;
	v10 =	vmovc v27;
	v27 =	vperm.xlane v17, v8  }
0x16c: {  	v12 =	vmovc v35;
	v16 =	vmovc v37;
	v28 =	vnsel vm7, $0x0, v20;
	v17 =	vcvt.s32.f32 v63;
	v44 =	vsel vm12, $0xFFFFFFFF, v14  }
0x16d: {  	(xrf2) =	vadd.scan.msk.f32 $0xffff, v59;
	vm7 =	vmmov vm0;
	v37 =	vld.idx.msk [tilespmem:v43+s14+$0x0], $0xffff;
	v43, _, _ =	vpop (xrf2);
	v35 =	vsel vm12, $0xFFFFFFFF, v27;
	vm2 =	vgt.s32 v44, $0x0  }
0x16e: {  	s28 =	sadd.s32 $0x200, s28;
	(xrf2) =	vadd.scan.msk.f32 $0xffff, v56;
	vm8 =	vgt.s32 v35, $0x0;
	v42 =	vsub.s32 v1, v35;
	v45 =	vnsel vm2, $0x0, v44;
	v14 =	vmovc v29  }
0x16f: {  	_ =	sdelay $0x3  }
0x170: {  	v24 =	vld.idx.msk [tilespmem:v24+s14+$0x0], $0xffff;
	(xrf2) =	vadd.scan.msk.f32 $0xffff, v37  }
0x171: {  	(xrf2) =	vadd.scan.msk.f32 $0xffff, v33  }
0x172: {  	vm2 =	vmor vm4, vm14;
	vm0 =	vmor vm6, vm14  }
0x173: {  	v61 =	vnsel vm8, $0x0, v35;
	v34 =	vsel vm1, $0xFFFFFFFF, v34;
	vm3 =	vmor vm3, vm14  }
0x174: {  	vm4 =	vmor vm13, vm14;
	v62 =	vperm.xlane v43, v45;
	vm6 =	vgt.s32 v44, $0xFFFFFFFF  }
0x175: {  	v27, _, _ =	vpop (xrf2);
	v38 =	vnsel vm10, $0x0, v22;
	vm8 =	vgt.s32 v22, $0xFFFFFFFF;
	v32 =	vperm.xlane v36, v32;
	(xrf2) =	vadd.scan.msk.f32 $0xffff, v24  }
0x176: {  	vm5 =	vmor vm5, vm14;
	v40 =	vnsel vm6, $0x0, v62;
	vm6 =	vmor vm9, vm14;
	v29, _, _ =	vpop (xrf2)  }
0x177: {  	v47 =	vsub.s32 v1, v44;
	v48 =	vcvt.s32.f32 v42;
	v33 =	vperm.xlane v29, v61;
	v39, _, _ =	vpop (xrf2)  }
0x178: {  	v49 =	vcvt.s32.f32 v31;
	vm9 =	vgt.s32 v35, $0xFFFFFFFF;
	v63 =	vperm.xlane v39, v38;
	v38 =	vld [tilespmem:$0x1FFF0]  }
0x179: {  	v24 =	vsub.f32 v43, v40;
	v41 =	vnsel vm9, $0x0, v33;
	vm9 =	vgt.s32 v34, $0xFFFFFFFF  }
0x17a: {  	v22 =	vnsel vm8, $0x0, v63;
	vm8 =	vgt.s32 v26, $0xFFFFFFFF;
	v29 =	vsub.f32 v29, v41;
	v43, _, _ =	vpop (xrf2)  }
0x17b: {  	[tilespmem:v16+s20+$0x0] =	vst.idx.add.f32.msk vm4, v24;
	v22 =	vsub.f32 v39, v22;
	v26 =	vnsel vm8, $0x0, v32;
	vm8 =	vgt.s32 v34, $0x0;
	v46, _, _ =	vpop (xrf2)  }
0x17c: {  	v45 =	vnsel vm8, $0x0, v34;
	vm8 =	vgt.s32 v18, $0xFFFFFFFF;
	[tilespmem:v15+s20+$0x0] =	vst.idx.add.f32.msk vm6, v29;
	v19 =	vperm.xlane v46, v19  }
0x17d: {  	v51 =	vperm.xlane v43, v28;
	vm10 =	vnez.u8 v38;
	[tilespmem:v13+s20+$0x0] =	vst.idx.add.f32.msk vm3, v22;
	v24 =	vperm.xlane v27, v45  }
0x17e: {  	v22 =	vcvt.s32.f32 v47;
	[tilespmem:v15+s21+$0x0] =	vst.idx.add.f32.msk vm6, v48;
	vm1 =	vmor vm10, vm14;
	v19 =	vnsel vm8, $0x0, v19  }
0x17f: {  	v52, _, _ =	vpop (xrf2);
	vm10 =	vgt.s32 v20, $0xFFFFFFFF;
	[tilespmem:v13+s21+$0x0] =	vst.idx.add.f32.msk vm3, v49;
	v50 =	vnsel vm9, $0x0, v24;
	v53 =	vsub.f32 v46, v19  }
0x180: {  	v55 =	vperm.xlane v52, v21;
	[tilespmem:v16+s21+$0x0] =	vst.idx.add.f32.msk vm4, v22;
	v57 =	vnsel vm10, $0x0, v51;
	v56 =	vsub.f32 v27, v50  }
0x181: {  	v15 =	vsub.f32 v43, v57;
	[tilespmem:v12+s20+$0x0] =	vst.idx.add.f32.msk vm2, v53  }
0x182: {  	v54 =	vcvt.s32.f32 v30;
	v58 =	vnsel vm11, $0x0, v55;
	[tilespmem:v9+s20+$0x0] =	vst.idx.add.f32.msk vm0, v56  }
0x183: {  	v59 =	vsub.f32 v52, v58;
	[tilespmem:v10+s20+$0x0] =	vst.idx.add.f32.msk vm5, v15  }
0x184: {  	v60 =	vsub.s32 v1, v34;
	v61 =	vcvt.s32.f32 v23;
	[tilespmem:v12+s21+$0x0] =	vst.idx.add.f32.msk vm2, v54  }
0x185: {  	v62 =	vcvt.s32.f32 v60;
	[tilespmem:v14+s20+$0x0] =	vst.idx.add.f32.msk vm7, v59  }
0x186: {  	v26 =	vsub.f32 v36, v26;
	[tilespmem:v10+s21+$0x0] =	vst.idx.add.f32.msk vm5, v61  }
0x187: {  	[tilespmem:v9+s21+$0x0] =	vst.idx.add.f32.msk vm0, v62  }
0x188: {  	v63 =	vcvt.s32.f32 v25;
	[tilespmem:v11+s20+$0x0] =	vst.idx.add.f32.msk vm1, v26  }
0x189: {  	[tilespmem:v14+s21+$0x0] =	vst.idx.add.f32.msk vm7, v17  }
0x18a: {  	s26 =	simm.s32 @p0 $0x40;
	[tilespmem:v11+s21+$0x0] =	vst.idx.add.f32.msk vm1, v63  }
0x18b: {  	s28 =	simm.s32 @p0 $0x14080;
	s29 =	simm.s32 @p0 $0x10080;
	[bflag:$0x0] =	sbarrier.arrive @p0 $0xFFFF  }
0x18c: {  	[spmem:s2] =	stream.indirect.scatter.add.f32 @p0 [tilespmem:s29], [sflag:$0x4], $0x80, s28, s26, $0xb8;
	[tilespmem:$0x14700] =	vst v63  }
0x18d: {  	s29 =	simm.s32 @p0 $0x4  }
0x18e: {  	_ =	swait.ge @p0 [sflag:s29], $0x2000  }
0x18f: {  	[sflag:s29] =	ssyncset.done @p0 $0x0  }
0x190: {  	s30 =	simm.s32 @p0 $0x12080;
	[sflag:s29] =	ssyncadd.s32 @p0 $0xFFFFE000  }
0x191: {  	[spmem:s3] =	stream.indirect.scatter.add.f32 @p0 [tilespmem:s30], [sflag:$0x4], $0x80, s28, s26, $0xb8;
	[tilespmem:$0x14700] =	vst v63  }
0x192: {  	_ =	swait.ge @p0 [sflag:s29], $0x2000  }
0x193: {  	[sflag:s29] =	ssyncset.done @p0 $0x0  }
0x194: {  	s26 =	simm.s32 @!p0 $0x10080;
	[sflag:s29] =	ssyncadd.s32 @p0 $0xFFFFE000  }
0x195: {  	[spmem:s2] =	stream.linear.scatter @!p0 [tilespmem:s26], [sflag:$0x4], $0x2000, $0x38;
	[tilespmem:$0x14700] =	vst v63  }
0x196: {  	s26 =	simm.s32 @!p0 $0x4  }
0x197: {  	_ =	swait.ge @!p0 [sflag:s26], $0x2000  }
0x198: {  	[sflag:s26] =	ssyncset.done @!p0 $0x0  }
0x199: {  	s28 =	simm.s32 @!p0 $0x12080;
	[sflag:s26] =	ssyncadd.s32 @!p0 $0xFFFFE000  }
0x19a: {  	[spmem:s3] =	stream.linear.scatter @!p0 [tilespmem:s28], [sflag:$0x4], $0x2000, $0x38;
	[tilespmem:$0x14700] =	vst v63  }
0x19b: {  	_ =	swait.ge @!p0 [sflag:s26], $0x2000  }
0x19c: {  	[sflag:s26] =	ssyncset.done @!p0 $0x0  }
0x19d: {  	[sflag:s26] =	ssyncadd.s32 @!p0 $0xFFFFE000  }
0x19e: {  	[bflag:$0x0] =	sbarrier.arrive @!p0 $0xFFFF  }
0x19f: {  	[bflag:$0x0] =	sbarrier.arrive $0xFFFF  }
0x1a0: {  	[tilespmem:s23], [sflag:$0x4] =	stream.linear.gather [spmem:s9], $0x200, $0x38;
	[tilespmem:$0x14700] =	vst v63  }
0x1a1: {  	_ =	swait.ge [sflag:s24], $0x200  }
0x1a2: {  	[sflag:s24] =	ssyncset.done $0x0  }
0x1a3: {  	[sflag:s24] =	ssyncadd.s32 $0xFFFFFE00  }
0x1a4: {  	[hbm4b:s10+s4] =	stream.linear.scatter [tilespmem:s23], [sflag:$0x4], $0x200, $0x38;
	[tilespmem:$0x14700] =	vst v63  }
0x1a5: {  	_ =	swait.ge [sflag:s24], $0x200  }
0x1a6: {  	[sflag:s24] =	ssyncset.done $0x0  }
0x1a7: {  	[sflag:s24] =	ssyncadd.s32 $0xFFFFFE00  }
0x1a8: {  	[tilespmem:s23], [sflag:$0x4] =	stream.linear.gather [spmem:s11], $0x200, $0x38;
	[tilespmem:$0x14700] =	vst v63  }
0x1a9: {  	s25 =	sadd.s32 $0x1, s25;
	_ =	swait.ge [sflag:s24], $0x200  }
0x1aa: {  	p1 =	sne.s32 s25, s13;
	[sflag:s24] =	ssyncset.done $0x0  }
.Ltmp3:
0x1ab: {  	[sflag:s24] =	ssyncadd.s32 $0xFFFFFE00;
	(pc) =	sbr.rel @p1 .LBB2_1-.Ltmp3, $4  }
0x1ac: {  	[hbm4b:s12+s4] =	stream.linear.scatter [tilespmem:s23], [sflag:$0x4], $0x200, $0x38;
	[tilespmem:$0x14700] =	vst v63  }
0x1ad: {  	_ =	swait.ge [sflag:s24], $0x200  }
0x1ae: {  	[sflag:s24] =	ssyncset.done $0x0  }
0x1af: {  	[sflag:s24] =	ssyncadd.s32 $0xFFFFFE00  }
0x1b0: {  	_ =	sfence.sel $0x180000  }
0x1b1: {  	[bflag:$0x0] =	sbarrier.arrive $0xFFFF  }
0x1b2: {  	_ =	strace $0x90000047  }
0x1b3: {  	s0 =	sadd.s32 @!p0 $0x100000, s1;
	[bflag:$0x2] =	sbarrier.arrive $0xFFFF  }
0x1b4: {  	[sflag:s0] =	ssyncadd.tile.s32 @!p0 $0x1;
	_ =	shalt  }
.Lfunc_end2:
_tile_overlayer_lowered:
.L_overlay_start_2:
0x1b5: {  	(tag) =	ssettag $0x2  }
0x1b6: {  	s0 =	rddreg [dreg:$0x0];
	s2 =	stileid.u32  }
0x1b7: {  	s1 =	rddreg [dreg:$0x1];
	p0 =	sne.s32 s2, $0x0  }
0x1b8: {  	s3 =	rddreg [dreg:$0x2];
	[bflag:$0x3] =	sbarrier.arrive $0xFFFF;
	s2 =	simm.s32 @!p0 $0x1C04  }
0x1b9: {  	[timem:s3], [sflag:s2] =	dma.local @!p0 [hbm:s0], s1  }
0x1ba: {  	s0 =	simm.s32 @!p0 $0x4  }
0x1bb: {  	_ =	swait.ge @!p0 [sflag:s0], s1  }
0x1bc: {  	s1 =	ssub.s32 @!p0 $0x0, s1;
	[sflag:s0] =	ssyncset.done @!p0 $0x0  }
0x1bd: {  	[sflag:s0] =	ssyncadd.s32 @!p0 s1  }
0x1be: {  	[bflag:$0x3] =	sbarrier.arrive $0xFFFF  }
0x1bf: {  	_ =	shalt  }

</sc_bundles>
